<compile_context>
chip_gen: v7x
topology: tpu7x:2x2x1
jax: 0.10.2.dev20260603
libtpu: 0.0.44.dev20260713+nightly
codegen_flags: <defaults>
</compile_context>

<pallas_src>
import functools

import jax
import jax.numpy as jnp
from jax import lax
from jax.experimental import pallas as pl
from jax.experimental.pallas import tpu as pltpu
from jax.experimental.pallas import tpu_sc as plsc

_NC = 2
_NS = 16
_NW = _NC * _NS
_L = 16


def _tc_body(x_ref, p_ref, o_ref):
    o_ref[...] = x_ref[...] + p_ref[...]


def _tc_add(x, pos_embedding, sblk=512):
    B, S, D = x.shape
    grid = (S // sblk, B)
    return pl.pallas_call(
        _tc_body,
        grid=grid,
        in_specs=[
            pl.BlockSpec((1, sblk, D), lambda i, b: (b, i, 0)),
            pl.BlockSpec((sblk, D), lambda i, b: (i, 0)),
        ],
        out_specs=pl.BlockSpec((1, sblk, D), lambda i, b: (b, i, 0)),
        out_shape=jax.ShapeDtypeStruct((B, S, D), x.dtype),
    )(x, pos_embedding)


def _sc_add(x, pos_embedding):
    B, S, D = x.shape
    xf = x.reshape(B * S, D)
    rows_per_w = S // _NW
    R = 2
    n_chunks = rows_per_w // R
    n_iters = n_chunks // 2

    mesh = plsc.VectorSubcoreMesh(core_axis_name="c", subcore_axis_name="s")

    @functools.partial(
        pl.kernel,
        out_type=jax.ShapeDtypeStruct((B * S, D), jnp.float32),
        mesh=mesh,
        scratch_types=(
            [pltpu.VMEM((R, D), jnp.float32)] * 8
            + [pltpu.VMEM((R, D), jnp.float32)] * 2
            + [pltpu.SemaphoreType.DMA] * 18
        ),
    )
    def k(x_hbm, pos_hbm, out_hbm, *scr):
        iob = scr[0:8]
        posb = scr[8:10]
        in_sem = scr[10:18]
        out_sem = scr[18:26]
        pos_sem = scr[26:28]

        wid = lax.axis_index("c") * _NS + lax.axis_index("s")
        s_base = wid * rows_per_w

        def in_copy(c, b, slot):
            row0 = b * S + s_base + c * R
            return pltpu.make_async_copy(
                x_hbm.at[pl.ds(row0, R)], iob[slot], in_sem[slot])

        def out_copy(c, b, slot):
            row0 = b * S + s_base + c * R
            return pltpu.make_async_copy(
                iob[slot], out_hbm.at[pl.ds(row0, R)], out_sem[slot])

        def pos_copy(c, pc):
            return pltpu.make_async_copy(
                pos_hbm.at[pl.ds(s_base + c * R, R)], posb[pc], pos_sem[pc])

        pos_copy(0, 0).start()
        pos_copy(1, 1).start()
        for b in range(B):
            in_copy(0, b, b).start()

        def period(g, carry):
            for k_slot in range(2 * B):
                pc = k_slot // B
                b = k_slot % B
                c = 2 * g + pc
                if b == 0:
                    pos_copy(c, pc).wait()
                in_copy(c, b, k_slot).wait()

                @plsc.parallel_loop(0, D // _L, unroll=8)
                def _(j):
                    col = j * _L
                    for r in range(R):
                        plsc.addupdate(
                            iob[k_slot].at[r, pl.ds(col, _L)],
                            posb[pc][r, pl.ds(col, _L)],
                        )
                out_copy(c, b, k_slot).start()

                if b == B - 1:
                    @pl.when(c + 2 < n_chunks)
                    def _():
                        pos_copy(c + 2, pc).start()

                if k_slot < B:
                    @pl.when(g > 0)
                    def _():
                        out_copy(2 * g - 1, b, k_slot + B).wait()
                    in_copy(2 * g + 1, b, k_slot + B).start()
                else:
                    out_copy(2 * g, b, k_slot - B).wait()

                    @pl.when(g < n_iters - 1)
                    def _():
                        in_copy(2 * g + 2, b, k_slot - B).start()
            return carry

        lax.fori_loop(0, n_iters, period, 0)

        for b in range(B):
            out_copy(n_chunks - 1, b, b + B).wait()

    return k(xf, pos_embedding).reshape(B, S, D)


def kernel(x, pos_embedding):
    return _sc_add(x, pos_embedding)

# --- scband reference (transcript-rebuilt; emitter-appended) ---
"""Pipeline reference for scband-learned-positional-encoding-7559142441195 (READ-ONLY COPY).

The authoritative reference and input builder live on the scoring server;
editing this copy changes nothing except your own understanding.
"""

import jax, jax.numpy as jnp
import numpy as np

MAX_SEQ_LEN = 8192
DIM = 4096

def setup_inputs(seed: int = 0) -> dict:
    key = jax.random.key(seed)
    k1, k2 = jax.random.split(key)
    x = jax.random.normal(k1, (4, 4096, DIM), dtype=jnp.float32)
    # flax nn.Embed default init: normal(stddev=1/sqrt(features)) variance scaling;
    # use normal * 0.02-like scale faithful to learned embedding table
    pos_embedding = jax.random.normal(k2, (MAX_SEQ_LEN, DIM), dtype=jnp.float32) * (1.0 / jnp.sqrt(DIM))
    return {"x": x, "pos_embedding": pos_embedding}

def reference(x, pos_embedding):
    seq_len = x.shape[1]
    positions = jnp.arange(seq_len)
    pos_emb = jnp.take(pos_embedding, positions, axis=0)
    return x + pos_emb[None, :, :]

if __name__ == "__main__":
    import jax
    _d = setup_inputs()
    print(jax.jit(kernel)(*tuple(_d.values())))

</pallas_src>

<mosaic_0001>
#map = affine_map<(d0, d1) -> (0, 0)>
module attributes {stable_mosaic.version = 14 : i64} {
  func.func @k(%arg0: i32, %arg1: i32, %arg2: memref<16384x4096xf32, #tpu.memory_space<hbm>>, %arg3: memref<8192x4096xf32, #tpu.memory_space<hbm>>, %arg4: memref<16384x4096xf32, #tpu.memory_space<hbm>>, %arg5: memref<2x4096xf32, #tpu.memory_space<vmem>>, %arg6: memref<2x4096xf32, #tpu.memory_space<vmem>>, %arg7: memref<2x4096xf32, #tpu.memory_space<vmem>>, %arg8: memref<2x4096xf32, #tpu.memory_space<vmem>>, %arg9: memref<2x4096xf32, #tpu.memory_space<vmem>>, %arg10: memref<2x4096xf32, #tpu.memory_space<vmem>>, %arg11: memref<2x4096xf32, #tpu.memory_space<vmem>>, %arg12: memref<2x4096xf32, #tpu.memory_space<vmem>>, %arg13: memref<2x4096xf32, #tpu.memory_space<vmem>>, %arg14: memref<2x4096xf32, #tpu.memory_space<vmem>>, %arg15: memref<!tpu.dma_semaphore, #tpu.memory_space<semaphore_mem>>, %arg16: memref<!tpu.dma_semaphore, #tpu.memory_space<semaphore_mem>>, %arg17: memref<!tpu.dma_semaphore, #tpu.memory_space<semaphore_mem>>, %arg18: memref<!tpu.dma_semaphore, #tpu.memory_space<semaphore_mem>>, %arg19: memref<!tpu.dma_semaphore, #tpu.memory_space<semaphore_mem>>, %arg20: memref<!tpu.dma_semaphore, #tpu.memory_space<semaphore_mem>>, %arg21: memref<!tpu.dma_semaphore, #tpu.memory_space<semaphore_mem>>, %arg22: memref<!tpu.dma_semaphore, #tpu.memory_space<semaphore_mem>>, %arg23: memref<!tpu.dma_semaphore, #tpu.memory_space<semaphore_mem>>, %arg24: memref<!tpu.dma_semaphore, #tpu.memory_space<semaphore_mem>>, %arg25: memref<!tpu.dma_semaphore, #tpu.memory_space<semaphore_mem>>, %arg26: memref<!tpu.dma_semaphore, #tpu.memory_space<semaphore_mem>>, %arg27: memref<!tpu.dma_semaphore, #tpu.memory_space<semaphore_mem>>, %arg28: memref<!tpu.dma_semaphore, #tpu.memory_space<semaphore_mem>>, %arg29: memref<!tpu.dma_semaphore, #tpu.memory_space<semaphore_mem>>, %arg30: memref<!tpu.dma_semaphore, #tpu.memory_space<semaphore_mem>>, %arg31: memref<!tpu.dma_semaphore, #tpu.memory_space<semaphore_mem>>, %arg32: memref<!tpu.dma_semaphore, #tpu.memory_space<semaphore_mem>>) attributes {dimension_semantics = [#tpu.dimension_semantics<core_parallel>, #tpu.dimension_semantics<subcore_parallel>], iteration_bounds = array<i64: 2, 16>, scalar_prefetch = 0 : i64, scratch_operands = 28 : i64, tpu.core_type = #tpu.core_type<sc_vector_subcore>, window_params = [{transform_indices = #map}, {transform_indices = #map}, {transform_indices = #map}]} {
    %mul3A = arith.constant 16 : i32
    %mul3A_0 = arith.muli %arg0, %mul3A : i32
    %add3A = arith.addi %mul3A_0, %arg1 : i32
    %mul3A_1 = arith.constant 128 : i32
    %mul3A_2 = arith.muli %add3A, %mul3A_1 : i32
    %add3A_3 = arith.constant 0 : i32
    %add3A_4 = arith.addi %mul3A_2, %add3A_3 : i32
    %dma_start3A = arith.constant 0 : i32
    %dma_start3A_5 = tpu.memref_slice %arg3[%add3A_4, %dma_start3A] : memref<8192x4096xf32, #tpu.memory_space<hbm>> -> memref<2x4096xf32, #tpu.memory_space<hbm>>
    %dma_start3A_6 = arith.constant 0 : i32
    %dma_start3A_7 = tpu.memref_slice %arg3[%add3A_4, %dma_start3A_6] : memref<8192x4096xf32, #tpu.memory_space<hbm>> -> memref<2x4096xf32, #tpu.memory_space<hbm>>
    tpu.enqueue_dma source(%dma_start3A_7 : memref<2x4096xf32, #tpu.memory_space<hbm>>) target(%arg13 : memref<2x4096xf32, #tpu.memory_space<vmem>>) target_semaphore(%arg31 : memref<!tpu.dma_semaphore, #tpu.memory_space<semaphore_mem>>)
    %add3A_8 = arith.constant 2 : i32
    %add3A_9 = arith.addi %mul3A_2, %add3A_8 : i32
    %dma_start3A_10 = arith.constant 0 : i32
    %dma_start3A_11 = tpu.memref_slice %arg3[%add3A_9, %dma_start3A_10] : memref<8192x4096xf32, #tpu.memory_space<hbm>> -> memref<2x4096xf32, #tpu.memory_space<hbm>>
    %dma_start3A_12 = arith.constant 0 : i32
    %dma_start3A_13 = tpu.memref_slice %arg3[%add3A_9, %dma_start3A_12] : memref<8192x4096xf32, #tpu.memory_space<hbm>> -> memref<2x4096xf32, #tpu.memory_space<hbm>>
    tpu.enqueue_dma source(%dma_start3A_13 : memref<2x4096xf32, #tpu.memory_space<hbm>>) target(%arg14 : memref<2x4096xf32, #tpu.memory_space<vmem>>) target_semaphore(%arg32 : memref<!tpu.dma_semaphore, #tpu.memory_space<semaphore_mem>>)
    %add3A_14 = arith.constant 0 : i32
    %add3A_15 = arith.addi %add3A_14, %mul3A_2 : i32
    %add3A_16 = arith.constant 0 : i32
    %add3A_17 = arith.addi %add3A_15, %add3A_16 : i32
    %dma_start3A_18 = arith.constant 0 : i32
    %dma_start3A_19 = tpu.memref_slice %arg2[%add3A_17, %dma_start3A_18] : memref<16384x4096xf32, #tpu.memory_space<hbm>> -> memref<2x4096xf32, #tpu.memory_space<hbm>>
    %dma_start3A_20 = arith.constant 0 : i32
    %dma_start3A_21 = tpu.memref_slice %arg2[%add3A_17, %dma_start3A_20] : memref<16384x4096xf32, #tpu.memory_space<hbm>> -> memref<2x4096xf32, #tpu.memory_space<hbm>>
    tpu.enqueue_dma source(%dma_start3A_21 : memref<2x4096xf32, #tpu.memory_space<hbm>>) target(%arg5 : memref<2x4096xf32, #tpu.memory_space<vmem>>) target_semaphore(%arg15 : memref<!tpu.dma_semaphore, #tpu.memory_space<semaphore_mem>>)
    %add3A_22 = arith.constant 4096 : i32
    %add3A_23 = arith.addi %add3A_22, %mul3A_2 : i32
    %add3A_24 = arith.constant 0 : i32
    %add3A_25 = arith.addi %add3A_23, %add3A_24 : i32
    %dma_start3A_26 = arith.constant 0 : i32
    %dma_start3A_27 = tpu.memref_slice %arg2[%add3A_25, %dma_start3A_26] : memref<16384x4096xf32, #tpu.memory_space<hbm>> -> memref<2x4096xf32, #tpu.memory_space<hbm>>
    %dma_start3A_28 = arith.constant 0 : i32
    %dma_start3A_29 = tpu.memref_slice %arg2[%add3A_25, %dma_start3A_28] : memref<16384x4096xf32, #tpu.memory_space<hbm>> -> memref<2x4096xf32, #tpu.memory_space<hbm>>
    tpu.enqueue_dma source(%dma_start3A_29 : memref<2x4096xf32, #tpu.memory_space<hbm>>) target(%arg6 : memref<2x4096xf32, #tpu.memory_space<vmem>>) target_semaphore(%arg16 : memref<!tpu.dma_semaphore, #tpu.memory_space<semaphore_mem>>)
    %add3A_30 = arith.constant 8192 : i32
    %add3A_31 = arith.addi %add3A_30, %mul3A_2 : i32
    %add3A_32 = arith.constant 0 : i32
    %add3A_33 = arith.addi %add3A_31, %add3A_32 : i32
    %dma_start3A_34 = arith.constant 0 : i32
    %dma_start3A_35 = tpu.memref_slice %arg2[%add3A_33, %dma_start3A_34] : memref<16384x4096xf32, #tpu.memory_space<hbm>> -> memref<2x4096xf32, #tpu.memory_space<hbm>>
    %dma_start3A_36 = arith.constant 0 : i32
    %dma_start3A_37 = tpu.memref_slice %arg2[%add3A_33, %dma_start3A_36] : memref<16384x4096xf32, #tpu.memory_space<hbm>> -> memref<2x4096xf32, #tpu.memory_space<hbm>>
    tpu.enqueue_dma source(%dma_start3A_37 : memref<2x4096xf32, #tpu.memory_space<hbm>>) target(%arg7 : memref<2x4096xf32, #tpu.memory_space<vmem>>) target_semaphore(%arg17 : memref<!tpu.dma_semaphore, #tpu.memory_space<semaphore_mem>>)
    %add3A_38 = arith.constant 12288 : i32
    %add3A_39 = arith.addi %add3A_38, %mul3A_2 : i32
    %add3A_40 = arith.constant 0 : i32
    %add3A_41 = arith.addi %add3A_39, %add3A_40 : i32
    %dma_start3A_42 = arith.constant 0 : i32
    %dma_start3A_43 = tpu.memref_slice %arg2[%add3A_41, %dma_start3A_42] : memref<16384x4096xf32, #tpu.memory_space<hbm>> -> memref<2x4096xf32, #tpu.memory_space<hbm>>
    %dma_start3A_44 = arith.constant 0 : i32
    %dma_start3A_45 = tpu.memref_slice %arg2[%add3A_41, %dma_start3A_44] : memref<16384x4096xf32, #tpu.memory_space<hbm>> -> memref<2x4096xf32, #tpu.memory_space<hbm>>
    tpu.enqueue_dma source(%dma_start3A_45 : memref<2x4096xf32, #tpu.memory_space<hbm>>) target(%arg8 : memref<2x4096xf32, #tpu.memory_space<vmem>>) target_semaphore(%arg18 : memref<!tpu.dma_semaphore, #tpu.memory_space<semaphore_mem>>)
    %scan3A = arith.constant 0 : i32
    %scan3A_46 = arith.constant 0 : i32
    %scan3A_47 = arith.constant 32 : i32
    %scan3A_48 = arith.addi %scan3A_46, %scan3A_47 : i32
    %scan3A_49 = arith.constant 1 : i32
    scf.for %scan3A_82 = %scan3A_46 to %scan3A_48 step %scan3A_49  : i32 {
      %mul3A_83 = arith.constant 2 : i32
      %mul3A_84 = arith.muli %mul3A_83, %scan3A_82 : i32
      %add3A_85 = arith.constant 0 : i32
      %add3A_86 = arith.addi %mul3A_84, %add3A_85 : i32
      %mul3A_87 = arith.constant 2 : i32
      %mul3A_88 = arith.muli %add3A_86, %mul3A_87 : i32
      %add3A_89 = arith.addi %mul3A_2, %mul3A_88 : i32
      %dma_wait3A_90 = arith.constant 0 : i32
      %dma_wait3A_91 = tpu.memref_slice %arg3[%add3A_89, %dma_wait3A_90] : memref<8192x4096xf32, #tpu.memory_space<hbm>> -> memref<2x4096xf32, #tpu.memory_space<hbm>>
      %dma_wait3A_92 = arith.constant 0 : i32
      %dma_wait3A_93 = tpu.memref_slice %arg3[%add3A_89, %dma_wait3A_92] : memref<8192x4096xf32, #tpu.memory_space<hbm>> -> memref<2x4096xf32, #tpu.memory_space<hbm>>
      tpu.wait_dma2 semaphore(%arg31 : memref<!tpu.dma_semaphore, #tpu.memory_space<semaphore_mem>>) src(%dma_wait3A_93 : memref<2x4096xf32, #tpu.memory_space<hbm>>) dst(%arg13 : memref<2x4096xf32, #tpu.memory_space<vmem>>)
      %add3A_94 = arith.constant 0 : i32
      %add3A_95 = arith.addi %add3A_94, %mul3A_2 : i32
      %mul3A_96 = arith.constant 2 : i32
      %mul3A_97 = arith.muli %add3A_86, %mul3A_96 : i32
      %add3A_98 = arith.addi %add3A_95, %mul3A_97 : i32
      %dma_wait3A_99 = arith.constant 0 : i32
      %dma_wait3A_100 = tpu.memref_slice %arg2[%add3A_98, %dma_wait3A_99] : memref<16384x4096xf32, #tpu.memory_space<hbm>> -> memref<2x4096xf32, #tpu.memory_space<hbm>>
      %dma_wait3A_101 = arith.constant 0 : i32
      %dma_wait3A_102 = tpu.memref_slice %arg2[%add3A_98, %dma_wait3A_101] : memref<16384x4096xf32, #tpu.memory_space<hbm>> -> memref<2x4096xf32, #tpu.memory_space<hbm>>
      tpu.wait_dma2 semaphore(%arg15 : memref<!tpu.dma_semaphore, #tpu.memory_space<semaphore_mem>>) src(%dma_wait3A_102 : memref<2x4096xf32, #tpu.memory_space<hbm>>) dst(%arg5 : memref<2x4096xf32, #tpu.memory_space<vmem>>)
      %parallel_loop3A = arith.constant 0 : i32
      %parallel_loop3A_103 = arith.constant 256 : i32
      %parallel_loop3A_104 = arith.constant 1 : i32
      scf.for %parallel_loop3A_442 = %parallel_loop3A to %parallel_loop3A_103 step %parallel_loop3A_104  : i32 {
        %parallel_loop3A_443 = arith.constant 16 : i32
        %parallel_loop3A_444 = arith.muli %parallel_loop3A_442, %parallel_loop3A_443 : i32
        %parallel_loop3A_445 = arith.constant 0 : i32
        %parallel_loop3A_446 = arith.index_cast %parallel_loop3A_445 : i32 to index
        %parallel_loop3A_447 = arith.index_cast %parallel_loop3A_444 : i32 to index
        %parallel_loop3A_448 = tpu.vector_load %arg13[%parallel_loop3A_446, %parallel_loop3A_447] {strides = array<i32>} : memref<2x4096xf32, #tpu.memory_space<vmem>>, vector<1x16xf32>,
        %parallel_loop3A_449 = vector.shape_cast %parallel_loop3A_448 : vector<1x16xf32> to vector<16xf32>
        %parallel_loop3A_450 = arith.constant 0 : i32
        %parallel_loop3A_451 = arith.index_cast %parallel_loop3A_450 : i32 to index
        %parallel_loop3A_452 = arith.index_cast %parallel_loop3A_444 : i32 to index
        %parallel_loop3A_453 = tpu.vector_load %arg5[%parallel_loop3A_451, %parallel_loop3A_452] {strides = array<i32>} : memref<2x4096xf32, #tpu.memory_space<vmem>>, vector<1x16xf32>,
        %parallel_loop3A_454 = vector.shape_cast %parallel_loop3A_453 : vector<1x16xf32> to vector<16xf32>
        %parallel_loop3A_455 = vector.shape_cast %parallel_loop3A_449 : vector<16xf32> to vector<1x16xf32>
        tpu.vector_store %arg5[%parallel_loop3A_451, %parallel_loop3A_452], %parallel_loop3A_455 {add = true, strides = array<i32>} : memref<2x4096xf32, #tpu.memory_space<vmem>>, vector<1x16xf32>,
        %parallel_loop3A_456 = arith.constant 1 : i32
        %parallel_loop3A_457 = arith.index_cast %parallel_loop3A_456 : i32 to index
        %parallel_loop3A_458 = arith.index_cast %parallel_loop3A_444 : i32 to index
        %parallel_loop3A_459 = tpu.vector_load %arg13[%parallel_loop3A_457, %parallel_loop3A_458] {strides = array<i32>} : memref<2x4096xf32, #tpu.memory_space<vmem>>, vector<1x16xf32>,
        %parallel_loop3A_460 = vector.shape_cast %parallel_loop3A_459 : vector<1x16xf32> to vector<16xf32>
        %parallel_loop3A_461 = arith.constant 1 : i32
        %parallel_loop3A_462 = arith.index_cast %parallel_loop3A_461 : i32 to index
        %parallel_loop3A_463 = arith.index_cast %parallel_loop3A_444 : i32 to index
        %parallel_loop3A_464 = tpu.vector_load %arg5[%parallel_loop3A_462, %parallel_loop3A_463] {strides = array<i32>} : memref<2x4096xf32, #tpu.memory_space<vmem>>, vector<1x16xf32>,
        %parallel_loop3A_465 = vector.shape_cast %parallel_loop3A_464 : vector<1x16xf32> to vector<16xf32>
        %parallel_loop3A_466 = vector.shape_cast %parallel_loop3A_460 : vector<16xf32> to vector<1x16xf32>
        tpu.vector_store %arg5[%parallel_loop3A_462, %parallel_loop3A_463], %parallel_loop3A_466 {add = true, strides = array<i32>} : memref<2x4096xf32, #tpu.memory_space<vmem>>, vector<1x16xf32>,
      } {sc.loop_unroll_factor = 8 : i64, sc.parallel_access}
      %add3A_105 = arith.constant 0 : i32
      %add3A_106 = arith.addi %add3A_105, %mul3A_2 : i32
      %mul3A_107 = arith.constant 2 : i32
      %mul3A_108 = arith.muli %add3A_86, %mul3A_107 : i32
      %add3A_109 = arith.addi %add3A_106, %mul3A_108 : i32
      %dma_start3A_110 = arith.constant 0 : i32
      %dma_start3A_111 = tpu.memref_slice %arg4[%add3A_109, %dma_start3A_110] : memref<16384x4096xf32, #tpu.memory_space<hbm>> -> memref<2x4096xf32, #tpu.memory_space<hbm>>
      %dma_start3A_112 = arith.constant 0 : i32
      %dma_start3A_113 = tpu.memref_slice %arg4[%add3A_109, %dma_start3A_112] : memref<16384x4096xf32, #tpu.memory_space<hbm>> -> memref<2x4096xf32, #tpu.memory_space<hbm>>
      tpu.enqueue_dma source(%arg5 : memref<2x4096xf32, #tpu.memory_space<vmem>>) target(%dma_start3A_113 : memref<2x4096xf32, #tpu.memory_space<hbm>>) target_semaphore(%arg23 : memref<!tpu.dma_semaphore, #tpu.memory_space<semaphore_mem>>)
      %gt3A = arith.constant 0 : i32
      %gt3A_114 = arith.cmpi sgt, %scan3A_82, %gt3A : i32
      %convert_element_type3A = arith.extui %gt3A_114 : i1 to i32
      %cond3A = arith.constant 0 : i32
      %cond3A_115 = arith.cmpi ne, %convert_element_type3A, %cond3A : i32
      scf.if %cond3A_115 {
        %mul3A_442 = arith.constant 2 : i32
        %mul3A_443 = arith.muli %mul3A_442, %scan3A_82 : i32
        %sub3A = arith.constant 1 : i32
        %sub3A_444 = arith.subi %mul3A_443, %sub3A : i32
        %add3A_445 = arith.constant 0 : i32
        %add3A_446 = arith.addi %add3A_445, %mul3A_2 : i32
        %mul3A_447 = arith.constant 2 : i32
        %mul3A_448 = arith.muli %sub3A_444, %mul3A_447 : i32
        %add3A_449 = arith.addi %add3A_446, %mul3A_448 : i32
        %dma_wait3A_450 = arith.constant 0 : i32
        %dma_wait3A_451 = tpu.memref_slice %arg4[%add3A_449, %dma_wait3A_450] : memref<16384x4096xf32, #tpu.memory_space<hbm>> -> memref<2x4096xf32, #tpu.memory_space<hbm>>
        %dma_wait3A_452 = arith.constant 0 : i32
        %dma_wait3A_453 = tpu.memref_slice %arg4[%add3A_449, %dma_wait3A_452] : memref<16384x4096xf32, #tpu.memory_space<hbm>> -> memref<2x4096xf32, #tpu.memory_space<hbm>>
        tpu.wait_dma2 semaphore(%arg27 : memref<!tpu.dma_semaphore, #tpu.memory_space<semaphore_mem>>) src(%arg9 : memref<2x4096xf32, #tpu.memory_space<vmem>>) dst(%dma_wait3A_453 : memref<2x4096xf32, #tpu.memory_space<hbm>>)
      } else {
      }
      %mul3A_116 = arith.constant 2 : i32
      %mul3A_117 = arith.muli %mul3A_116, %scan3A_82 : i32
      %add3A_118 = arith.constant 1 : i32
      %add3A_119 = arith.addi %mul3A_117, %add3A_118 : i32
      %add3A_120 = arith.constant 0 : i32
      %add3A_121 = arith.addi %add3A_120, %mul3A_2 : i32
      %mul3A_122 = arith.constant 2 : i32
      %mul3A_123 = arith.muli %add3A_119, %mul3A_122 : i32
      %add3A_124 = arith.addi %add3A_121, %mul3A_123 : i32
      %dma_start3A_125 = arith.constant 0 : i32
      %dma_start3A_126 = tpu.memref_slice %arg2[%add3A_124, %dma_start3A_125] : memref<16384x4096xf32, #tpu.memory_space<hbm>> -> memref<2x4096xf32, #tpu.memory_space<hbm>>
      %dma_start3A_127 = arith.constant 0 : i32
      %dma_start3A_128 = tpu.memref_slice %arg2[%add3A_124, %dma_start3A_127] : memref<16384x4096xf32, #tpu.memory_space<hbm>> -> memref<2x4096xf32, #tpu.memory_space<hbm>>
      tpu.enqueue_dma source(%dma_start3A_128 : memref<2x4096xf32, #tpu.memory_space<hbm>>) target(%arg9 : memref<2x4096xf32, #tpu.memory_space<vmem>>) target_semaphore(%arg19 : memref<!tpu.dma_semaphore, #tpu.memory_space<semaphore_mem>>)
      %mul3A_129 = arith.constant 2 : i32
      %mul3A_130 = arith.muli %mul3A_129, %scan3A_82 : i32
      %add3A_131 = arith.constant 0 : i32
      %add3A_132 = arith.addi %mul3A_130, %add3A_131 : i32
      %add3A_133 = arith.constant 4096 : i32
      %add3A_134 = arith.addi %add3A_133, %mul3A_2 : i32
      %mul3A_135 = arith.constant 2 : i32
      %mul3A_136 = arith.muli %add3A_132, %mul3A_135 : i32
      %add3A_137 = arith.addi %add3A_134, %mul3A_136 : i32
      %dma_wait3A_138 = arith.constant 0 : i32
      %dma_wait3A_139 = tpu.memref_slice %arg2[%add3A_137, %dma_wait3A_138] : memref<16384x4096xf32, #tpu.memory_space<hbm>> -> memref<2x4096xf32, #tpu.memory_space<hbm>>
      %dma_wait3A_140 = arith.constant 0 : i32
      %dma_wait3A_141 = tpu.memref_slice %arg2[%add3A_137, %dma_wait3A_140] : memref<16384x4096xf32, #tpu.memory_space<hbm>> -> memref<2x4096xf32, #tpu.memory_space<hbm>>
      tpu.wait_dma2 semaphore(%arg16 : memref<!tpu.dma_semaphore, #tpu.memory_space<semaphore_mem>>) src(%dma_wait3A_141 : memref<2x4096xf32, #tpu.memory_space<hbm>>) dst(%arg6 : memref<2x4096xf32, #tpu.memory_space<vmem>>)
      %parallel_loop3A_142 = arith.constant 0 : i32
      %parallel_loop3A_143 = arith.constant 256 : i32
      %parallel_loop3A_144 = arith.constant 1 : i32
      scf.for %parallel_loop3A_442 = %parallel_loop3A_142 to %parallel_loop3A_143 step %parallel_loop3A_144  : i32 {
        %parallel_loop3A_443 = arith.constant 16 : i32
        %parallel_loop3A_444 = arith.muli %parallel_loop3A_442, %parallel_loop3A_443 : i32
        %parallel_loop3A_445 = arith.constant 0 : i32
        %parallel_loop3A_446 = arith.index_cast %parallel_loop3A_445 : i32 to index
        %parallel_loop3A_447 = arith.index_cast %parallel_loop3A_444 : i32 to index
        %parallel_loop3A_448 = tpu.vector_load %arg13[%parallel_loop3A_446, %parallel_loop3A_447] {strides = array<i32>} : memref<2x4096xf32, #tpu.memory_space<vmem>>, vector<1x16xf32>,
        %parallel_loop3A_449 = vector.shape_cast %parallel_loop3A_448 : vector<1x16xf32> to vector<16xf32>
        %parallel_loop3A_450 = arith.constant 0 : i32
        %parallel_loop3A_451 = arith.index_cast %parallel_loop3A_450 : i32 to index
        %parallel_loop3A_452 = arith.index_cast %parallel_loop3A_444 : i32 to index
        %parallel_loop3A_453 = tpu.vector_load %arg6[%parallel_loop3A_451, %parallel_loop3A_452] {strides = array<i32>} : memref<2x4096xf32, #tpu.memory_space<vmem>>, vector<1x16xf32>,
        %parallel_loop3A_454 = vector.shape_cast %parallel_loop3A_453 : vector<1x16xf32> to vector<16xf32>
        %parallel_loop3A_455 = vector.shape_cast %parallel_loop3A_449 : vector<16xf32> to vector<1x16xf32>
        tpu.vector_store %arg6[%parallel_loop3A_451, %parallel_loop3A_452], %parallel_loop3A_455 {add = true, strides = array<i32>} : memref<2x4096xf32, #tpu.memory_space<vmem>>, vector<1x16xf32>,
        %parallel_loop3A_456 = arith.constant 1 : i32
        %parallel_loop3A_457 = arith.index_cast %parallel_loop3A_456 : i32 to index
        %parallel_loop3A_458 = arith.index_cast %parallel_loop3A_444 : i32 to index
        %parallel_loop3A_459 = tpu.vector_load %arg13[%parallel_loop3A_457, %parallel_loop3A_458] {strides = array<i32>} : memref<2x4096xf32, #tpu.memory_space<vmem>>, vector<1x16xf32>,
        %parallel_loop3A_460 = vector.shape_cast %parallel_loop3A_459 : vector<1x16xf32> to vector<16xf32>
        %parallel_loop3A_461 = arith.constant 1 : i32
        %parallel_loop3A_462 = arith.index_cast %parallel_loop3A_461 : i32 to index
        %parallel_loop3A_463 = arith.index_cast %parallel_loop3A_444 : i32 to index
        %parallel_loop3A_464 = tpu.vector_load %arg6[%parallel_loop3A_462, %parallel_loop3A_463] {strides = array<i32>} : memref<2x4096xf32, #tpu.memory_space<vmem>>, vector<1x16xf32>,
        %parallel_loop3A_465 = vector.shape_cast %parallel_loop3A_464 : vector<1x16xf32> to vector<16xf32>
        %parallel_loop3A_466 = vector.shape_cast %parallel_loop3A_460 : vector<16xf32> to vector<1x16xf32>
        tpu.vector_store %arg6[%parallel_loop3A_462, %parallel_loop3A_463], %parallel_loop3A_466 {add = true, strides = array<i32>} : memref<2x4096xf32, #tpu.memory_space<vmem>>, vector<1x16xf32>,
      } {sc.loop_unroll_factor = 8 : i64, sc.parallel_access}
      %add3A_145 = arith.constant 4096 : i32
      %add3A_146 = arith.addi %add3A_145, %mul3A_2 : i32
      %mul3A_147 = arith.constant 2 : i32
      %mul3A_148 = arith.muli %add3A_132, %mul3A_147 : i32
      %add3A_149 = arith.addi %add3A_146, %mul3A_148 : i32
      %dma_start3A_150 = arith.constant 0 : i32
      %dma_start3A_151 = tpu.memref_slice %arg4[%add3A_149, %dma_start3A_150] : memref<16384x4096xf32, #tpu.memory_space<hbm>> -> memref<2x4096xf32, #tpu.memory_space<hbm>>
      %dma_start3A_152 = arith.constant 0 : i32
      %dma_start3A_153 = tpu.memref_slice %arg4[%add3A_149, %dma_start3A_152] : memref<16384x4096xf32, #tpu.memory_space<hbm>> -> memref<2x4096xf32, #tpu.memory_space<hbm>>
      tpu.enqueue_dma source(%arg6 : memref<2x4096xf32, #tpu.memory_space<vmem>>) target(%dma_start3A_153 : memref<2x4096xf32, #tpu.memory_space<hbm>>) target_semaphore(%arg24 : memref<!tpu.dma_semaphore, #tpu.memory_space<semaphore_mem>>)
      %gt3A_154 = arith.constant 0 : i32
      %gt3A_155 = arith.cmpi sgt, %scan3A_82, %gt3A_154 : i32
      %convert_element_type3A_156 = arith.extui %gt3A_155 : i1 to i32
      %cond3A_157 = arith.constant 0 : i32
      %cond3A_158 = arith.cmpi ne, %convert_element_type3A_156, %cond3A_157 : i32
      scf.if %cond3A_158 {
        %mul3A_442 = arith.constant 2 : i32
        %mul3A_443 = arith.muli %mul3A_442, %scan3A_82 : i32
        %sub3A = arith.constant 1 : i32
        %sub3A_444 = arith.subi %mul3A_443, %sub3A : i32
        %add3A_445 = arith.constant 4096 : i32
        %add3A_446 = arith.addi %add3A_445, %mul3A_2 : i32
        %mul3A_447 = arith.constant 2 : i32
        %mul3A_448 = arith.muli %sub3A_444, %mul3A_447 : i32
        %add3A_449 = arith.addi %add3A_446, %mul3A_448 : i32
        %dma_wait3A_450 = arith.constant 0 : i32
        %dma_wait3A_451 = tpu.memref_slice %arg4[%add3A_449, %dma_wait3A_450] : memref<16384x4096xf32, #tpu.memory_space<hbm>> -> memref<2x4096xf32, #tpu.memory_space<hbm>>
        %dma_wait3A_452 = arith.constant 0 : i32
        %dma_wait3A_453 = tpu.memref_slice %arg4[%add3A_449, %dma_wait3A_452] : memref<16384x4096xf32, #tpu.memory_space<hbm>> -> memref<2x4096xf32, #tpu.memory_space<hbm>>
        tpu.wait_dma2 semaphore(%arg28 : memref<!tpu.dma_semaphore, #tpu.memory_space<semaphore_mem>>) src(%arg10 : memref<2x4096xf32, #tpu.memory_space<vmem>>) dst(%dma_wait3A_453 : memref<2x4096xf32, #tpu.memory_space<hbm>>)
      } else {
      }
      %mul3A_159 = arith.constant 2 : i32
      %mul3A_160 = arith.muli %mul3A_159, %scan3A_82 : i32
      %add3A_161 = arith.constant 1 : i32
      %add3A_162 = arith.addi %mul3A_160, %add3A_161 : i32
      %add3A_163 = arith.constant 4096 : i32
      %add3A_164 = arith.addi %add3A_163, %mul3A_2 : i32
      %mul3A_165 = arith.constant 2 : i32
      %mul3A_166 = arith.muli %add3A_162, %mul3A_165 : i32
      %add3A_167 = arith.addi %add3A_164, %mul3A_166 : i32
      %dma_start3A_168 = arith.constant 0 : i32
      %dma_start3A_169 = tpu.memref_slice %arg2[%add3A_167, %dma_start3A_168] : memref<16384x4096xf32, #tpu.memory_space<hbm>> -> memref<2x4096xf32, #tpu.memory_space<hbm>>
      %dma_start3A_170 = arith.constant 0 : i32
      %dma_start3A_171 = tpu.memref_slice %arg2[%add3A_167, %dma_start3A_170] : memref<16384x4096xf32, #tpu.memory_space<hbm>> -> memref<2x4096xf32, #tpu.memory_space<hbm>>
      tpu.enqueue_dma source(%dma_start3A_171 : memref<2x4096xf32, #tpu.memory_space<hbm>>) target(%arg10 : memref<2x4096xf32, #tpu.memory_space<vmem>>) target_semaphore(%arg20 : memref<!tpu.dma_semaphore, #tpu.memory_space<semaphore_mem>>)
      %mul3A_172 = arith.constant 2 : i32
      %mul3A_173 = arith.muli %mul3A_172, %scan3A_82 : i32
      %add3A_174 = arith.constant 0 : i32
      %add3A_175 = arith.addi %mul3A_173, %add3A_174 : i32
      %add3A_176 = arith.constant 8192 : i32
      %add3A_177 = arith.addi %add3A_176, %mul3A_2 : i32
      %mul3A_178 = arith.constant 2 : i32
      %mul3A_179 = arith.muli %add3A_175, %mul3A_178 : i32
      %add3A_180 = arith.addi %add3A_177, %mul3A_179 : i32
      %dma_wait3A_181 = arith.constant 0 : i32
      %dma_wait3A_182 = tpu.memref_slice %arg2[%add3A_180, %dma_wait3A_181] : memref<16384x4096xf32, #tpu.memory_space<hbm>> -> memref<2x4096xf32, #tpu.memory_space<hbm>>
      %dma_wait3A_183 = arith.constant 0 : i32
      %dma_wait3A_184 = tpu.memref_slice %arg2[%add3A_180, %dma_wait3A_183] : memref<16384x4096xf32, #tpu.memory_space<hbm>> -> memref<2x4096xf32, #tpu.memory_space<hbm>>
      tpu.wait_dma2 semaphore(%arg17 : memref<!tpu.dma_semaphore, #tpu.memory_space<semaphore_mem>>) src(%dma_wait3A_184 : memref<2x4096xf32, #tpu.memory_space<hbm>>) dst(%arg7 : memref<2x4096xf32, #tpu.memory_space<vmem>>)
      %parallel_loop3A_185 = arith.constant 0 : i32
      %parallel_loop3A_186 = arith.constant 256 : i32
      %parallel_loop3A_187 = arith.constant 1 : i32
      scf.for %parallel_loop3A_442 = %parallel_loop3A_185 to %parallel_loop3A_186 step %parallel_loop3A_187  : i32 {
        %parallel_loop3A_443 = arith.constant 16 : i32
        %parallel_loop3A_444 = arith.muli %parallel_loop3A_442, %parallel_loop3A_443 : i32
        %parallel_loop3A_445 = arith.constant 0 : i32
        %parallel_loop3A_446 = arith.index_cast %parallel_loop3A_445 : i32 to index
        %parallel_loop3A_447 = arith.index_cast %parallel_loop3A_444 : i32 to index
        %parallel_loop3A_448 = tpu.vector_load %arg13[%parallel_loop3A_446, %parallel_loop3A_447] {strides = array<i32>} : memref<2x4096xf32, #tpu.memory_space<vmem>>, vector<1x16xf32>,
        %parallel_loop3A_449 = vector.shape_cast %parallel_loop3A_448 : vector<1x16xf32> to vector<16xf32>
        %parallel_loop3A_450 = arith.constant 0 : i32
        %parallel_loop3A_451 = arith.index_cast %parallel_loop3A_450 : i32 to index
        %parallel_loop3A_452 = arith.index_cast %parallel_loop3A_444 : i32 to index
        %parallel_loop3A_453 = tpu.vector_load %arg7[%parallel_loop3A_451, %parallel_loop3A_452] {strides = array<i32>} : memref<2x4096xf32, #tpu.memory_space<vmem>>, vector<1x16xf32>,
        %parallel_loop3A_454 = vector.shape_cast %parallel_loop3A_453 : vector<1x16xf32> to vector<16xf32>
        %parallel_loop3A_455 = vector.shape_cast %parallel_loop3A_449 : vector<16xf32> to vector<1x16xf32>
        tpu.vector_store %arg7[%parallel_loop3A_451, %parallel_loop3A_452], %parallel_loop3A_455 {add = true, strides = array<i32>} : memref<2x4096xf32, #tpu.memory_space<vmem>>, vector<1x16xf32>,
        %parallel_loop3A_456 = arith.constant 1 : i32
        %parallel_loop3A_457 = arith.index_cast %parallel_loop3A_456 : i32 to index
        %parallel_loop3A_458 = arith.index_cast %parallel_loop3A_444 : i32 to index
        %parallel_loop3A_459 = tpu.vector_load %arg13[%parallel_loop3A_457, %parallel_loop3A_458] {strides = array<i32>} : memref<2x4096xf32, #tpu.memory_space<vmem>>, vector<1x16xf32>,
        %parallel_loop3A_460 = vector.shape_cast %parallel_loop3A_459 : vector<1x16xf32> to vector<16xf32>
        %parallel_loop3A_461 = arith.constant 1 : i32
        %parallel_loop3A_462 = arith.index_cast %parallel_loop3A_461 : i32 to index
        %parallel_loop3A_463 = arith.index_cast %parallel_loop3A_444 : i32 to index
        %parallel_loop3A_464 = tpu.vector_load %arg7[%parallel_loop3A_462, %parallel_loop3A_463] {strides = array<i32>} : memref<2x4096xf32, #tpu.memory_space<vmem>>, vector<1x16xf32>,
        %parallel_loop3A_465 = vector.shape_cast %parallel_loop3A_464 : vector<1x16xf32> to vector<16xf32>
        %parallel_loop3A_466 = vector.shape_cast %parallel_loop3A_460 : vector<16xf32> to vector<1x16xf32>
        tpu.vector_store %arg7[%parallel_loop3A_462, %parallel_loop3A_463], %parallel_loop3A_466 {add = true, strides = array<i32>} : memref<2x4096xf32, #tpu.memory_space<vmem>>, vector<1x16xf32>,
      } {sc.loop_unroll_factor = 8 : i64, sc.parallel_access}
      %add3A_188 = arith.constant 8192 : i32
      %add3A_189 = arith.addi %add3A_188, %mul3A_2 : i32
      %mul3A_190 = arith.constant 2 : i32
      %mul3A_191 = arith.muli %add3A_175, %mul3A_190 : i32
      %add3A_192 = arith.addi %add3A_189, %mul3A_191 : i32
      %dma_start3A_193 = arith.constant 0 : i32
      %dma_start3A_194 = tpu.memref_slice %arg4[%add3A_192, %dma_start3A_193] : memref<16384x4096xf32, #tpu.memory_space<hbm>> -> memref<2x4096xf32, #tpu.memory_space<hbm>>
      %dma_start3A_195 = arith.constant 0 : i32
      %dma_start3A_196 = tpu.memref_slice %arg4[%add3A_192, %dma_start3A_195] : memref<16384x4096xf32, #tpu.memory_space<hbm>> -> memref<2x4096xf32, #tpu.memory_space<hbm>>
      tpu.enqueue_dma source(%arg7 : memref<2x4096xf32, #tpu.memory_space<vmem>>) target(%dma_start3A_196 : memref<2x4096xf32, #tpu.memory_space<hbm>>) target_semaphore(%arg25 : memref<!tpu.dma_semaphore, #tpu.memory_space<semaphore_mem>>)
      %gt3A_197 = arith.constant 0 : i32
      %gt3A_198 = arith.cmpi sgt, %scan3A_82, %gt3A_197 : i32
      %convert_element_type3A_199 = arith.extui %gt3A_198 : i1 to i32
      %cond3A_200 = arith.constant 0 : i32
      %cond3A_201 = arith.cmpi ne, %convert_element_type3A_199, %cond3A_200 : i32
      scf.if %cond3A_201 {
        %mul3A_442 = arith.constant 2 : i32
        %mul3A_443 = arith.muli %mul3A_442, %scan3A_82 : i32
        %sub3A = arith.constant 1 : i32
        %sub3A_444 = arith.subi %mul3A_443, %sub3A : i32
        %add3A_445 = arith.constant 8192 : i32
        %add3A_446 = arith.addi %add3A_445, %mul3A_2 : i32
        %mul3A_447 = arith.constant 2 : i32
        %mul3A_448 = arith.muli %sub3A_444, %mul3A_447 : i32
        %add3A_449 = arith.addi %add3A_446, %mul3A_448 : i32
        %dma_wait3A_450 = arith.constant 0 : i32
        %dma_wait3A_451 = tpu.memref_slice %arg4[%add3A_449, %dma_wait3A_450] : memref<16384x4096xf32, #tpu.memory_space<hbm>> -> memref<2x4096xf32, #tpu.memory_space<hbm>>
        %dma_wait3A_452 = arith.constant 0 : i32
        %dma_wait3A_453 = tpu.memref_slice %arg4[%add3A_449, %dma_wait3A_452] : memref<16384x4096xf32, #tpu.memory_space<hbm>> -> memref<2x4096xf32, #tpu.memory_space<hbm>>
        tpu.wait_dma2 semaphore(%arg29 : memref<!tpu.dma_semaphore, #tpu.memory_space<semaphore_mem>>) src(%arg11 : memref<2x4096xf32, #tpu.memory_space<vmem>>) dst(%dma_wait3A_453 : memref<2x4096xf32, #tpu.memory_space<hbm>>)
      } else {
      }
      %mul3A_202 = arith.constant 2 : i32
      %mul3A_203 = arith.muli %mul3A_202, %scan3A_82 : i32
      %add3A_204 = arith.constant 1 : i32
      %add3A_205 = arith.addi %mul3A_203, %add3A_204 : i32
      %add3A_206 = arith.constant 8192 : i32
      %add3A_207 = arith.addi %add3A_206, %mul3A_2 : i32
      %mul3A_208 = arith.constant 2 : i32
      %mul3A_209 = arith.muli %add3A_205, %mul3A_208 : i32
      %add3A_210 = arith.addi %add3A_207, %mul3A_209 : i32
      %dma_start3A_211 = arith.constant 0 : i32
      %dma_start3A_212 = tpu.memref_slice %arg2[%add3A_210, %dma_start3A_211] : memref<16384x4096xf32, #tpu.memory_space<hbm>> -> memref<2x4096xf32, #tpu.memory_space<hbm>>
      %dma_start3A_213 = arith.constant 0 : i32
      %dma_start3A_214 = tpu.memref_slice %arg2[%add3A_210, %dma_start3A_213] : memref<16384x4096xf32, #tpu.memory_space<hbm>> -> memref<2x4096xf32, #tpu.memory_space<hbm>>
      tpu.enqueue_dma source(%dma_start3A_214 : memref<2x4096xf32, #tpu.memory_space<hbm>>) target(%arg11 : memref<2x4096xf32, #tpu.memory_space<vmem>>) target_semaphore(%arg21 : memref<!tpu.dma_semaphore, #tpu.memory_space<semaphore_mem>>)
      %mul3A_215 = arith.constant 2 : i32
      %mul3A_216 = arith.muli %mul3A_215, %scan3A_82 : i32
      %add3A_217 = arith.constant 0 : i32
      %add3A_218 = arith.addi %mul3A_216, %add3A_217 : i32
      %add3A_219 = arith.constant 12288 : i32
      %add3A_220 = arith.addi %add3A_219, %mul3A_2 : i32
      %mul3A_221 = arith.constant 2 : i32
      %mul3A_222 = arith.muli %add3A_218, %mul3A_221 : i32
      %add3A_223 = arith.addi %add3A_220, %mul3A_222 : i32
      %dma_wait3A_224 = arith.constant 0 : i32
      %dma_wait3A_225 = tpu.memref_slice %arg2[%add3A_223, %dma_wait3A_224] : memref<16384x4096xf32, #tpu.memory_space<hbm>> -> memref<2x4096xf32, #tpu.memory_space<hbm>>
      %dma_wait3A_226 = arith.constant 0 : i32
      %dma_wait3A_227 = tpu.memref_slice %arg2[%add3A_223, %dma_wait3A_226] : memref<16384x4096xf32, #tpu.memory_space<hbm>> -> memref<2x4096xf32, #tpu.memory_space<hbm>>
      tpu.wait_dma2 semaphore(%arg18 : memref<!tpu.dma_semaphore, #tpu.memory_space<semaphore_mem>>) src(%dma_wait3A_227 : memref<2x4096xf32, #tpu.memory_space<hbm>>) dst(%arg8 : memref<2x4096xf32, #tpu.memory_space<vmem>>)
      %parallel_loop3A_228 = arith.constant 0 : i32
      %parallel_loop3A_229 = arith.constant 256 : i32
      %parallel_loop3A_230 = arith.constant 1 : i32
      scf.for %parallel_loop3A_442 = %parallel_loop3A_228 to %parallel_loop3A_229 step %parallel_loop3A_230  : i32 {
        %parallel_loop3A_443 = arith.constant 16 : i32
        %parallel_loop3A_444 = arith.muli %parallel_loop3A_442, %parallel_loop3A_443 : i32
        %parallel_loop3A_445 = arith.constant 0 : i32
        %parallel_loop3A_446 = arith.index_cast %parallel_loop3A_445 : i32 to index
        %parallel_loop3A_447 = arith.index_cast %parallel_loop3A_444 : i32 to index
        %parallel_loop3A_448 = tpu.vector_load %arg13[%parallel_loop3A_446, %parallel_loop3A_447] {strides = array<i32>} : memref<2x4096xf32, #tpu.memory_space<vmem>>, vector<1x16xf32>,
        %parallel_loop3A_449 = vector.shape_cast %parallel_loop3A_448 : vector<1x16xf32> to vector<16xf32>
        %parallel_loop3A_450 = arith.constant 0 : i32
        %parallel_loop3A_451 = arith.index_cast %parallel_loop3A_450 : i32 to index
        %parallel_loop3A_452 = arith.index_cast %parallel_loop3A_444 : i32 to index
        %parallel_loop3A_453 = tpu.vector_load %arg8[%parallel_loop3A_451, %parallel_loop3A_452] {strides = array<i32>} : memref<2x4096xf32, #tpu.memory_space<vmem>>, vector<1x16xf32>,
        %parallel_loop3A_454 = vector.shape_cast %parallel_loop3A_453 : vector<1x16xf32> to vector<16xf32>
        %parallel_loop3A_455 = vector.shape_cast %parallel_loop3A_449 : vector<16xf32> to vector<1x16xf32>
        tpu.vector_store %arg8[%parallel_loop3A_451, %parallel_loop3A_452], %parallel_loop3A_455 {add = true, strides = array<i32>} : memref<2x4096xf32, #tpu.memory_space<vmem>>, vector<1x16xf32>,
        %parallel_loop3A_456 = arith.constant 1 : i32
        %parallel_loop3A_457 = arith.index_cast %parallel_loop3A_456 : i32 to index
        %parallel_loop3A_458 = arith.index_cast %parallel_loop3A_444 : i32 to index
        %parallel_loop3A_459 = tpu.vector_load %arg13[%parallel_loop3A_457, %parallel_loop3A_458] {strides = array<i32>} : memref<2x4096xf32, #tpu.memory_space<vmem>>, vector<1x16xf32>,
        %parallel_loop3A_460 = vector.shape_cast %parallel_loop3A_459 : vector<1x16xf32> to vector<16xf32>
        %parallel_loop3A_461 = arith.constant 1 : i32
        %parallel_loop3A_462 = arith.index_cast %parallel_loop3A_461 : i32 to index
        %parallel_loop3A_463 = arith.index_cast %parallel_loop3A_444 : i32 to index
        %parallel_loop3A_464 = tpu.vector_load %arg8[%parallel_loop3A_462, %parallel_loop3A_463] {strides = array<i32>} : memref<2x4096xf32, #tpu.memory_space<vmem>>, vector<1x16xf32>,
        %parallel_loop3A_465 = vector.shape_cast %parallel_loop3A_464 : vector<1x16xf32> to vector<16xf32>
        %parallel_loop3A_466 = vector.shape_cast %parallel_loop3A_460 : vector<16xf32> to vector<1x16xf32>
        tpu.vector_store %arg8[%parallel_loop3A_462, %parallel_loop3A_463], %parallel_loop3A_466 {add = true, strides = array<i32>} : memref<2x4096xf32, #tpu.memory_space<vmem>>, vector<1x16xf32>,
      } {sc.loop_unroll_factor = 8 : i64, sc.parallel_access}
      %add3A_231 = arith.constant 12288 : i32
      %add3A_232 = arith.addi %add3A_231, %mul3A_2 : i32
      %mul3A_233 = arith.constant 2 : i32
      %mul3A_234 = arith.muli %add3A_218, %mul3A_233 : i32
      %add3A_235 = arith.addi %add3A_232, %mul3A_234 : i32
      %dma_start3A_236 = arith.constant 0 : i32
      %dma_start3A_237 = tpu.memref_slice %arg4[%add3A_235, %dma_start3A_236] : memref<16384x4096xf32, #tpu.memory_space<hbm>> -> memref<2x4096xf32, #tpu.memory_space<hbm>>
      %dma_start3A_238 = arith.constant 0 : i32
      %dma_start3A_239 = tpu.memref_slice %arg4[%add3A_235, %dma_start3A_238] : memref<16384x4096xf32, #tpu.memory_space<hbm>> -> memref<2x4096xf32, #tpu.memory_space<hbm>>
      tpu.enqueue_dma source(%arg8 : memref<2x4096xf32, #tpu.memory_space<vmem>>) target(%dma_start3A_239 : memref<2x4096xf32, #tpu.memory_space<hbm>>) target_semaphore(%arg26 : memref<!tpu.dma_semaphore, #tpu.memory_space<semaphore_mem>>)
      %add3A_240 = arith.constant 2 : i32
      %add3A_241 = arith.addi %add3A_218, %add3A_240 : i32
      %lt3A = arith.constant 64 : i32
      %lt3A_242 = arith.cmpi slt, %add3A_241, %lt3A : i32
      %convert_element_type3A_243 = arith.extui %lt3A_242 : i1 to i32
      %cond3A_244 = arith.constant 0 : i32
      %cond3A_245 = arith.cmpi ne, %convert_element_type3A_243, %cond3A_244 : i32
      scf.if %cond3A_245 {
        %add3A_442 = arith.constant 2 : i32
        %add3A_443 = arith.addi %add3A_218, %add3A_442 : i32
        %mul3A_444 = arith.constant 2 : i32
        %mul3A_445 = arith.muli %add3A_443, %mul3A_444 : i32
        %add3A_446 = arith.addi %mul3A_2, %mul3A_445 : i32
        %dma_start3A_447 = arith.constant 0 : i32
        %dma_start3A_448 = tpu.memref_slice %arg3[%add3A_446, %dma_start3A_447] : memref<8192x4096xf32, #tpu.memory_space<hbm>> -> memref<2x4096xf32, #tpu.memory_space<hbm>>
        %dma_start3A_449 = arith.constant 0 : i32
        %dma_start3A_450 = tpu.memref_slice %arg3[%add3A_446, %dma_start3A_449] : memref<8192x4096xf32, #tpu.memory_space<hbm>> -> memref<2x4096xf32, #tpu.memory_space<hbm>>
        tpu.enqueue_dma source(%dma_start3A_450 : memref<2x4096xf32, #tpu.memory_space<hbm>>) target(%arg13 : memref<2x4096xf32, #tpu.memory_space<vmem>>) target_semaphore(%arg31 : memref<!tpu.dma_semaphore, #tpu.memory_space<semaphore_mem>>)
      } else {
      }
      %gt3A_246 = arith.constant 0 : i32
      %gt3A_247 = arith.cmpi sgt, %scan3A_82, %gt3A_246 : i32
      %convert_element_type3A_248 = arith.extui %gt3A_247 : i1 to i32
      %cond3A_249 = arith.constant 0 : i32
      %cond3A_250 = arith.cmpi ne, %convert_element_type3A_248, %cond3A_249 : i32
      scf.if %cond3A_250 {
        %mul3A_442 = arith.constant 2 : i32
        %mul3A_443 = arith.muli %mul3A_442, %scan3A_82 : i32
        %sub3A = arith.constant 1 : i32
        %sub3A_444 = arith.subi %mul3A_443, %sub3A : i32
        %add3A_445 = arith.constant 12288 : i32
        %add3A_446 = arith.addi %add3A_445, %mul3A_2 : i32
        %mul3A_447 = arith.constant 2 : i32
        %mul3A_448 = arith.muli %sub3A_444, %mul3A_447 : i32
        %add3A_449 = arith.addi %add3A_446, %mul3A_448 : i32
        %dma_wait3A_450 = arith.constant 0 : i32
        %dma_wait3A_451 = tpu.memref_slice %arg4[%add3A_449, %dma_wait3A_450] : memref<16384x4096xf32, #tpu.memory_space<hbm>> -> memref<2x4096xf32, #tpu.memory_space<hbm>>
        %dma_wait3A_452 = arith.constant 0 : i32
        %dma_wait3A_453 = tpu.memref_slice %arg4[%add3A_449, %dma_wait3A_452] : memref<16384x4096xf32, #tpu.memory_space<hbm>> -> memref<2x4096xf32, #tpu.memory_space<hbm>>
        tpu.wait_dma2 semaphore(%arg30 : memref<!tpu.dma_semaphore, #tpu.memory_space<semaphore_mem>>) src(%arg12 : memref<2x4096xf32, #tpu.memory_space<vmem>>) dst(%dma_wait3A_453 : memref<2x4096xf32, #tpu.memory_space<hbm>>)
      } else {
      }
      %mul3A_251 = arith.constant 2 : i32
      %mul3A_252 = arith.muli %mul3A_251, %scan3A_82 : i32
      %add3A_253 = arith.constant 1 : i32
      %add3A_254 = arith.addi %mul3A_252, %add3A_253 : i32
      %add3A_255 = arith.constant 12288 : i32
      %add3A_256 = arith.addi %add3A_255, %mul3A_2 : i32
      %mul3A_257 = arith.constant 2 : i32
      %mul3A_258 = arith.muli %add3A_254, %mul3A_257 : i32
      %add3A_259 = arith.addi %add3A_256, %mul3A_258 : i32
      %dma_start3A_260 = arith.constant 0 : i32
      %dma_start3A_261 = tpu.memref_slice %arg2[%add3A_259, %dma_start3A_260] : memref<16384x4096xf32, #tpu.memory_space<hbm>> -> memref<2x4096xf32, #tpu.memory_space<hbm>>
      %dma_start3A_262 = arith.constant 0 : i32
      %dma_start3A_263 = tpu.memref_slice %arg2[%add3A_259, %dma_start3A_262] : memref<16384x4096xf32, #tpu.memory_space<hbm>> -> memref<2x4096xf32, #tpu.memory_space<hbm>>
      tpu.enqueue_dma source(%dma_start3A_263 : memref<2x4096xf32, #tpu.memory_space<hbm>>) target(%arg12 : memref<2x4096xf32, #tpu.memory_space<vmem>>) target_semaphore(%arg22 : memref<!tpu.dma_semaphore, #tpu.memory_space<semaphore_mem>>)
      %mul3A_264 = arith.constant 2 : i32
      %mul3A_265 = arith.muli %mul3A_264, %scan3A_82 : i32
      %add3A_266 = arith.constant 1 : i32
      %add3A_267 = arith.addi %mul3A_265, %add3A_266 : i32
      %mul3A_268 = arith.constant 2 : i32
      %mul3A_269 = arith.muli %add3A_267, %mul3A_268 : i32
      %add3A_270 = arith.addi %mul3A_2, %mul3A_269 : i32
      %dma_wait3A_271 = arith.constant 0 : i32
      %dma_wait3A_272 = tpu.memref_slice %arg3[%add3A_270, %dma_wait3A_271] : memref<8192x4096xf32, #tpu.memory_space<hbm>> -> memref<2x4096xf32, #tpu.memory_space<hbm>>
      %dma_wait3A_273 = arith.constant 0 : i32
      %dma_wait3A_274 = tpu.memref_slice %arg3[%add3A_270, %dma_wait3A_273] : memref<8192x4096xf32, #tpu.memory_space<hbm>> -> memref<2x4096xf32, #tpu.memory_space<hbm>>
      tpu.wait_dma2 semaphore(%arg32 : memref<!tpu.dma_semaphore, #tpu.memory_space<semaphore_mem>>) src(%dma_wait3A_274 : memref<2x4096xf32, #tpu.memory_space<hbm>>) dst(%arg14 : memref<2x4096xf32, #tpu.memory_space<vmem>>)
      %add3A_275 = arith.constant 0 : i32
      %add3A_276 = arith.addi %add3A_275, %mul3A_2 : i32
      %mul3A_277 = arith.constant 2 : i32
      %mul3A_278 = arith.muli %add3A_267, %mul3A_277 : i32
      %add3A_279 = arith.addi %add3A_276, %mul3A_278 : i32
      %dma_wait3A_280 = arith.constant 0 : i32
      %dma_wait3A_281 = tpu.memref_slice %arg2[%add3A_279, %dma_wait3A_280] : memref<16384x4096xf32, #tpu.memory_space<hbm>> -> memref<2x4096xf32, #tpu.memory_space<hbm>>
      %dma_wait3A_282 = arith.constant 0 : i32
      %dma_wait3A_283 = tpu.memref_slice %arg2[%add3A_279, %dma_wait3A_282] : memref<16384x4096xf32, #tpu.memory_space<hbm>> -> memref<2x4096xf32, #tpu.memory_space<hbm>>
      tpu.wait_dma2 semaphore(%arg19 : memref<!tpu.dma_semaphore, #tpu.memory_space<semaphore_mem>>) src(%dma_wait3A_283 : memref<2x4096xf32, #tpu.memory_space<hbm>>) dst(%arg9 : memref<2x4096xf32, #tpu.memory_space<vmem>>)
      %parallel_loop3A_284 = arith.constant 0 : i32
      %parallel_loop3A_285 = arith.constant 256 : i32
      %parallel_loop3A_286 = arith.constant 1 : i32
      scf.for %parallel_loop3A_442 = %parallel_loop3A_284 to %parallel_loop3A_285 step %parallel_loop3A_286  : i32 {
        %parallel_loop3A_443 = arith.constant 16 : i32
        %parallel_loop3A_444 = arith.muli %parallel_loop3A_442, %parallel_loop3A_443 : i32
        %parallel_loop3A_445 = arith.constant 0 : i32
        %parallel_loop3A_446 = arith.index_cast %parallel_loop3A_445 : i32 to index
        %parallel_loop3A_447 = arith.index_cast %parallel_loop3A_444 : i32 to index
        %parallel_loop3A_448 = tpu.vector_load %arg14[%parallel_loop3A_446, %parallel_loop3A_447] {strides = array<i32>} : memref<2x4096xf32, #tpu.memory_space<vmem>>, vector<1x16xf32>,
        %parallel_loop3A_449 = vector.shape_cast %parallel_loop3A_448 : vector<1x16xf32> to vector<16xf32>
        %parallel_loop3A_450 = arith.constant 0 : i32
        %parallel_loop3A_451 = arith.index_cast %parallel_loop3A_450 : i32 to index
        %parallel_loop3A_452 = arith.index_cast %parallel_loop3A_444 : i32 to index
        %parallel_loop3A_453 = tpu.vector_load %arg9[%parallel_loop3A_451, %parallel_loop3A_452] {strides = array<i32>} : memref<2x4096xf32, #tpu.memory_space<vmem>>, vector<1x16xf32>,
        %parallel_loop3A_454 = vector.shape_cast %parallel_loop3A_453 : vector<1x16xf32> to vector<16xf32>
        %parallel_loop3A_455 = vector.shape_cast %parallel_loop3A_449 : vector<16xf32> to vector<1x16xf32>
        tpu.vector_store %arg9[%parallel_loop3A_451, %parallel_loop3A_452], %parallel_loop3A_455 {add = true, strides = array<i32>} : memref<2x4096xf32, #tpu.memory_space<vmem>>, vector<1x16xf32>,
        %parallel_loop3A_456 = arith.constant 1 : i32
        %parallel_loop3A_457 = arith.index_cast %parallel_loop3A_456 : i32 to index
        %parallel_loop3A_458 = arith.index_cast %parallel_loop3A_444 : i32 to index
        %parallel_loop3A_459 = tpu.vector_load %arg14[%parallel_loop3A_457, %parallel_loop3A_458] {strides = array<i32>} : memref<2x4096xf32, #tpu.memory_space<vmem>>, vector<1x16xf32>,
        %parallel_loop3A_460 = vector.shape_cast %parallel_loop3A_459 : vector<1x16xf32> to vector<16xf32>
        %parallel_loop3A_461 = arith.constant 1 : i32
        %parallel_loop3A_462 = arith.index_cast %parallel_loop3A_461 : i32 to index
        %parallel_loop3A_463 = arith.index_cast %parallel_loop3A_444 : i32 to index
        %parallel_loop3A_464 = tpu.vector_load %arg9[%parallel_loop3A_462, %parallel_loop3A_463] {strides = array<i32>} : memref<2x4096xf32, #tpu.memory_space<vmem>>, vector<1x16xf32>,
        %parallel_loop3A_465 = vector.shape_cast %parallel_loop3A_464 : vector<1x16xf32> to vector<16xf32>
        %parallel_loop3A_466 = vector.shape_cast %parallel_loop3A_460 : vector<16xf32> to vector<1x16xf32>
        tpu.vector_store %arg9[%parallel_loop3A_462, %parallel_loop3A_463], %parallel_loop3A_466 {add = true, strides = array<i32>} : memref<2x4096xf32, #tpu.memory_space<vmem>>, vector<1x16xf32>,
      } {sc.loop_unroll_factor = 8 : i64, sc.parallel_access}
      %add3A_287 = arith.constant 0 : i32
      %add3A_288 = arith.addi %add3A_287, %mul3A_2 : i32
      %mul3A_289 = arith.constant 2 : i32
      %mul3A_290 = arith.muli %add3A_267, %mul3A_289 : i32
      %add3A_291 = arith.addi %add3A_288, %mul3A_290 : i32
      %dma_start3A_292 = arith.constant 0 : i32
      %dma_start3A_293 = tpu.memref_slice %arg4[%add3A_291, %dma_start3A_292] : memref<16384x4096xf32, #tpu.memory_space<hbm>> -> memref<2x4096xf32, #tpu.memory_space<hbm>>
      %dma_start3A_294 = arith.constant 0 : i32
      %dma_start3A_295 = tpu.memref_slice %arg4[%add3A_291, %dma_start3A_294] : memref<16384x4096xf32, #tpu.memory_space<hbm>> -> memref<2x4096xf32, #tpu.memory_space<hbm>>
      tpu.enqueue_dma source(%arg9 : memref<2x4096xf32, #tpu.memory_space<vmem>>) target(%dma_start3A_295 : memref<2x4096xf32, #tpu.memory_space<hbm>>) target_semaphore(%arg27 : memref<!tpu.dma_semaphore, #tpu.memory_space<semaphore_mem>>)
      %mul3A_296 = arith.constant 2 : i32
      %mul3A_297 = arith.muli %mul3A_296, %scan3A_82 : i32
      %add3A_298 = arith.constant 0 : i32
      %add3A_299 = arith.addi %add3A_298, %mul3A_2 : i32
      %mul3A_300 = arith.constant 2 : i32
      %mul3A_301 = arith.muli %mul3A_297, %mul3A_300 : i32
      %add3A_302 = arith.addi %add3A_299, %mul3A_301 : i32
      %dma_wait3A_303 = arith.constant 0 : i32
      %dma_wait3A_304 = tpu.memref_slice %arg4[%add3A_302, %dma_wait3A_303] : memref<16384x4096xf32, #tpu.memory_space<hbm>> -> memref<2x4096xf32, #tpu.memory_space<hbm>>
      %dma_wait3A_305 = arith.constant 0 : i32
      %dma_wait3A_306 = tpu.memref_slice %arg4[%add3A_302, %dma_wait3A_305] : memref<16384x4096xf32, #tpu.memory_space<hbm>> -> memref<2x4096xf32, #tpu.memory_space<hbm>>
      tpu.wait_dma2 semaphore(%arg23 : memref<!tpu.dma_semaphore, #tpu.memory_space<semaphore_mem>>) src(%arg5 : memref<2x4096xf32, #tpu.memory_space<vmem>>) dst(%dma_wait3A_306 : memref<2x4096xf32, #tpu.memory_space<hbm>>)
      %lt3A_307 = arith.constant 31 : i32
      %lt3A_308 = arith.cmpi slt, %scan3A_82, %lt3A_307 : i32
      %convert_element_type3A_309 = arith.extui %lt3A_308 : i1 to i32
      %cond3A_310 = arith.constant 0 : i32
      %cond3A_311 = arith.cmpi ne, %convert_element_type3A_309, %cond3A_310 : i32
      scf.if %cond3A_311 {
        %mul3A_442 = arith.constant 2 : i32
        %mul3A_443 = arith.muli %mul3A_442, %scan3A_82 : i32
        %add3A_444 = arith.constant 2 : i32
        %add3A_445 = arith.addi %mul3A_443, %add3A_444 : i32
        %add3A_446 = arith.constant 0 : i32
        %add3A_447 = arith.addi %add3A_446, %mul3A_2 : i32
        %mul3A_448 = arith.constant 2 : i32
        %mul3A_449 = arith.muli %add3A_445, %mul3A_448 : i32
        %add3A_450 = arith.addi %add3A_447, %mul3A_449 : i32
        %dma_start3A_451 = arith.constant 0 : i32
        %dma_start3A_452 = tpu.memref_slice %arg2[%add3A_450, %dma_start3A_451] : memref<16384x4096xf32, #tpu.memory_space<hbm>> -> memref<2x4096xf32, #tpu.memory_space<hbm>>
        %dma_start3A_453 = arith.constant 0 : i32
        %dma_start3A_454 = tpu.memref_slice %arg2[%add3A_450, %dma_start3A_453] : memref<16384x4096xf32, #tpu.memory_space<hbm>> -> memref<2x4096xf32, #tpu.memory_space<hbm>>
        tpu.enqueue_dma source(%dma_start3A_454 : memref<2x4096xf32, #tpu.memory_space<hbm>>) target(%arg5 : memref<2x4096xf32, #tpu.memory_space<vmem>>) target_semaphore(%arg15 : memref<!tpu.dma_semaphore, #tpu.memory_space<semaphore_mem>>)
      } else {
      }
      %mul3A_312 = arith.constant 2 : i32
      %mul3A_313 = arith.muli %mul3A_312, %scan3A_82 : i32
      %add3A_314 = arith.constant 1 : i32
      %add3A_315 = arith.addi %mul3A_313, %add3A_314 : i32
      %add3A_316 = arith.constant 4096 : i32
      %add3A_317 = arith.addi %add3A_316, %mul3A_2 : i32
      %mul3A_318 = arith.constant 2 : i32
      %mul3A_319 = arith.muli %add3A_315, %mul3A_318 : i32
      %add3A_320 = arith.addi %add3A_317, %mul3A_319 : i32
      %dma_wait3A_321 = arith.constant 0 : i32
      %dma_wait3A_322 = tpu.memref_slice %arg2[%add3A_320, %dma_wait3A_321] : memref<16384x4096xf32, #tpu.memory_space<hbm>> -> memref<2x4096xf32, #tpu.memory_space<hbm>>
      %dma_wait3A_323 = arith.constant 0 : i32
      %dma_wait3A_324 = tpu.memref_slice %arg2[%add3A_320, %dma_wait3A_323] : memref<16384x4096xf32, #tpu.memory_space<hbm>> -> memref<2x4096xf32, #tpu.memory_space<hbm>>
      tpu.wait_dma2 semaphore(%arg20 : memref<!tpu.dma_semaphore, #tpu.memory_space<semaphore_mem>>) src(%dma_wait3A_324 : memref<2x4096xf32, #tpu.memory_space<hbm>>) dst(%arg10 : memref<2x4096xf32, #tpu.memory_space<vmem>>)
      %parallel_loop3A_325 = arith.constant 0 : i32
      %parallel_loop3A_326 = arith.constant 256 : i32
      %parallel_loop3A_327 = arith.constant 1 : i32
      scf.for %parallel_loop3A_442 = %parallel_loop3A_325 to %parallel_loop3A_326 step %parallel_loop3A_327  : i32 {
        %parallel_loop3A_443 = arith.constant 16 : i32
        %parallel_loop3A_444 = arith.muli %parallel_loop3A_442, %parallel_loop3A_443 : i32
        %parallel_loop3A_445 = arith.constant 0 : i32
        %parallel_loop3A_446 = arith.index_cast %parallel_loop3A_445 : i32 to index
        %parallel_loop3A_447 = arith.index_cast %parallel_loop3A_444 : i32 to index
        %parallel_loop3A_448 = tpu.vector_load %arg14[%parallel_loop3A_446, %parallel_loop3A_447] {strides = array<i32>} : memref<2x4096xf32, #tpu.memory_space<vmem>>, vector<1x16xf32>,
        %parallel_loop3A_449 = vector.shape_cast %parallel_loop3A_448 : vector<1x16xf32> to vector<16xf32>
        %parallel_loop3A_450 = arith.constant 0 : i32
        %parallel_loop3A_451 = arith.index_cast %parallel_loop3A_450 : i32 to index
        %parallel_loop3A_452 = arith.index_cast %parallel_loop3A_444 : i32 to index
        %parallel_loop3A_453 = tpu.vector_load %arg10[%parallel_loop3A_451, %parallel_loop3A_452] {strides = array<i32>} : memref<2x4096xf32, #tpu.memory_space<vmem>>, vector<1x16xf32>,
        %parallel_loop3A_454 = vector.shape_cast %parallel_loop3A_453 : vector<1x16xf32> to vector<16xf32>
        %parallel_loop3A_455 = vector.shape_cast %parallel_loop3A_449 : vector<16xf32> to vector<1x16xf32>
        tpu.vector_store %arg10[%parallel_loop3A_451, %parallel_loop3A_452], %parallel_loop3A_455 {add = true, strides = array<i32>} : memref<2x4096xf32, #tpu.memory_space<vmem>>, vector<1x16xf32>,
        %parallel_loop3A_456 = arith.constant 1 : i32
        %parallel_loop3A_457 = arith.index_cast %parallel_loop3A_456 : i32 to index
        %parallel_loop3A_458 = arith.index_cast %parallel_loop3A_444 : i32 to index
        %parallel_loop3A_459 = tpu.vector_load %arg14[%parallel_loop3A_457, %parallel_loop3A_458] {strides = array<i32>} : memref<2x4096xf32, #tpu.memory_space<vmem>>, vector<1x16xf32>,
        %parallel_loop3A_460 = vector.shape_cast %parallel_loop3A_459 : vector<1x16xf32> to vector<16xf32>
        %parallel_loop3A_461 = arith.constant 1 : i32
        %parallel_loop3A_462 = arith.index_cast %parallel_loop3A_461 : i32 to index
        %parallel_loop3A_463 = arith.index_cast %parallel_loop3A_444 : i32 to index
        %parallel_loop3A_464 = tpu.vector_load %arg10[%parallel_loop3A_462, %parallel_loop3A_463] {strides = array<i32>} : memref<2x4096xf32, #tpu.memory_space<vmem>>, vector<1x16xf32>,
        %parallel_loop3A_465 = vector.shape_cast %parallel_loop3A_464 : vector<1x16xf32> to vector<16xf32>
        %parallel_loop3A_466 = vector.shape_cast %parallel_loop3A_460 : vector<16xf32> to vector<1x16xf32>
        tpu.vector_store %arg10[%parallel_loop3A_462, %parallel_loop3A_463], %parallel_loop3A_466 {add = true, strides = array<i32>} : memref<2x4096xf32, #tpu.memory_space<vmem>>, vector<1x16xf32>,
      } {sc.loop_unroll_factor = 8 : i64, sc.parallel_access}
      %add3A_328 = arith.constant 4096 : i32
      %add3A_329 = arith.addi %add3A_328, %mul3A_2 : i32
      %mul3A_330 = arith.constant 2 : i32
      %mul3A_331 = arith.muli %add3A_315, %mul3A_330 : i32
      %add3A_332 = arith.addi %add3A_329, %mul3A_331 : i32
      %dma_start3A_333 = arith.constant 0 : i32
      %dma_start3A_334 = tpu.memref_slice %arg4[%add3A_332, %dma_start3A_333] : memref<16384x4096xf32, #tpu.memory_space<hbm>> -> memref<2x4096xf32, #tpu.memory_space<hbm>>
      %dma_start3A_335 = arith.constant 0 : i32
      %dma_start3A_336 = tpu.memref_slice %arg4[%add3A_332, %dma_start3A_335] : memref<16384x4096xf32, #tpu.memory_space<hbm>> -> memref<2x4096xf32, #tpu.memory_space<hbm>>
      tpu.enqueue_dma source(%arg10 : memref<2x4096xf32, #tpu.memory_space<vmem>>) target(%dma_start3A_336 : memref<2x4096xf32, #tpu.memory_space<hbm>>) target_semaphore(%arg28 : memref<!tpu.dma_semaphore, #tpu.memory_space<semaphore_mem>>)
      %mul3A_337 = arith.constant 2 : i32
      %mul3A_338 = arith.muli %mul3A_337, %scan3A_82 : i32
      %add3A_339 = arith.constant 4096 : i32
      %add3A_340 = arith.addi %add3A_339, %mul3A_2 : i32
      %mul3A_341 = arith.constant 2 : i32
      %mul3A_342 = arith.muli %mul3A_338, %mul3A_341 : i32
      %add3A_343 = arith.addi %add3A_340, %mul3A_342 : i32
      %dma_wait3A_344 = arith.constant 0 : i32
      %dma_wait3A_345 = tpu.memref_slice %arg4[%add3A_343, %dma_wait3A_344] : memref<16384x4096xf32, #tpu.memory_space<hbm>> -> memref<2x4096xf32, #tpu.memory_space<hbm>>
      %dma_wait3A_346 = arith.constant 0 : i32
      %dma_wait3A_347 = tpu.memref_slice %arg4[%add3A_343, %dma_wait3A_346] : memref<16384x4096xf32, #tpu.memory_space<hbm>> -> memref<2x4096xf32, #tpu.memory_space<hbm>>
      tpu.wait_dma2 semaphore(%arg24 : memref<!tpu.dma_semaphore, #tpu.memory_space<semaphore_mem>>) src(%arg6 : memref<2x4096xf32, #tpu.memory_space<vmem>>) dst(%dma_wait3A_347 : memref<2x4096xf32, #tpu.memory_space<hbm>>)
      %lt3A_348 = arith.constant 31 : i32
      %lt3A_349 = arith.cmpi slt, %scan3A_82, %lt3A_348 : i32
      %convert_element_type3A_350 = arith.extui %lt3A_349 : i1 to i32
      %cond3A_351 = arith.constant 0 : i32
      %cond3A_352 = arith.cmpi ne, %convert_element_type3A_350, %cond3A_351 : i32
      scf.if %cond3A_352 {
        %mul3A_442 = arith.constant 2 : i32
        %mul3A_443 = arith.muli %mul3A_442, %scan3A_82 : i32
        %add3A_444 = arith.constant 2 : i32
        %add3A_445 = arith.addi %mul3A_443, %add3A_444 : i32
        %add3A_446 = arith.constant 4096 : i32
        %add3A_447 = arith.addi %add3A_446, %mul3A_2 : i32
        %mul3A_448 = arith.constant 2 : i32
        %mul3A_449 = arith.muli %add3A_445, %mul3A_448 : i32
        %add3A_450 = arith.addi %add3A_447, %mul3A_449 : i32
        %dma_start3A_451 = arith.constant 0 : i32
        %dma_start3A_452 = tpu.memref_slice %arg2[%add3A_450, %dma_start3A_451] : memref<16384x4096xf32, #tpu.memory_space<hbm>> -> memref<2x4096xf32, #tpu.memory_space<hbm>>
        %dma_start3A_453 = arith.constant 0 : i32
        %dma_start3A_454 = tpu.memref_slice %arg2[%add3A_450, %dma_start3A_453] : memref<16384x4096xf32, #tpu.memory_space<hbm>> -> memref<2x4096xf32, #tpu.memory_space<hbm>>
        tpu.enqueue_dma source(%dma_start3A_454 : memref<2x4096xf32, #tpu.memory_space<hbm>>) target(%arg6 : memref<2x4096xf32, #tpu.memory_space<vmem>>) target_semaphore(%arg16 : memref<!tpu.dma_semaphore, #tpu.memory_space<semaphore_mem>>)
      } else {
      }
      %mul3A_353 = arith.constant 2 : i32
      %mul3A_354 = arith.muli %mul3A_353, %scan3A_82 : i32
      %add3A_355 = arith.constant 1 : i32
      %add3A_356 = arith.addi %mul3A_354, %add3A_355 : i32
      %add3A_357 = arith.constant 8192 : i32
      %add3A_358 = arith.addi %add3A_357, %mul3A_2 : i32
      %mul3A_359 = arith.constant 2 : i32
      %mul3A_360 = arith.muli %add3A_356, %mul3A_359 : i32
      %add3A_361 = arith.addi %add3A_358, %mul3A_360 : i32
      %dma_wait3A_362 = arith.constant 0 : i32
      %dma_wait3A_363 = tpu.memref_slice %arg2[%add3A_361, %dma_wait3A_362] : memref<16384x4096xf32, #tpu.memory_space<hbm>> -> memref<2x4096xf32, #tpu.memory_space<hbm>>
      %dma_wait3A_364 = arith.constant 0 : i32
      %dma_wait3A_365 = tpu.memref_slice %arg2[%add3A_361, %dma_wait3A_364] : memref<16384x4096xf32, #tpu.memory_space<hbm>> -> memref<2x4096xf32, #tpu.memory_space<hbm>>
      tpu.wait_dma2 semaphore(%arg21 : memref<!tpu.dma_semaphore, #tpu.memory_space<semaphore_mem>>) src(%dma_wait3A_365 : memref<2x4096xf32, #tpu.memory_space<hbm>>) dst(%arg11 : memref<2x4096xf32, #tpu.memory_space<vmem>>)
      %parallel_loop3A_366 = arith.constant 0 : i32
      %parallel_loop3A_367 = arith.constant 256 : i32
      %parallel_loop3A_368 = arith.constant 1 : i32
      scf.for %parallel_loop3A_442 = %parallel_loop3A_366 to %parallel_loop3A_367 step %parallel_loop3A_368  : i32 {
        %parallel_loop3A_443 = arith.constant 16 : i32
        %parallel_loop3A_444 = arith.muli %parallel_loop3A_442, %parallel_loop3A_443 : i32
        %parallel_loop3A_445 = arith.constant 0 : i32
        %parallel_loop3A_446 = arith.index_cast %parallel_loop3A_445 : i32 to index
        %parallel_loop3A_447 = arith.index_cast %parallel_loop3A_444 : i32 to index
        %parallel_loop3A_448 = tpu.vector_load %arg14[%parallel_loop3A_446, %parallel_loop3A_447] {strides = array<i32>} : memref<2x4096xf32, #tpu.memory_space<vmem>>, vector<1x16xf32>,
        %parallel_loop3A_449 = vector.shape_cast %parallel_loop3A_448 : vector<1x16xf32> to vector<16xf32>
        %parallel_loop3A_450 = arith.constant 0 : i32
        %parallel_loop3A_451 = arith.index_cast %parallel_loop3A_450 : i32 to index
        %parallel_loop3A_452 = arith.index_cast %parallel_loop3A_444 : i32 to index
        %parallel_loop3A_453 = tpu.vector_load %arg11[%parallel_loop3A_451, %parallel_loop3A_452] {strides = array<i32>} : memref<2x4096xf32, #tpu.memory_space<vmem>>, vector<1x16xf32>,
        %parallel_loop3A_454 = vector.shape_cast %parallel_loop3A_453 : vector<1x16xf32> to vector<16xf32>
        %parallel_loop3A_455 = vector.shape_cast %parallel_loop3A_449 : vector<16xf32> to vector<1x16xf32>
        tpu.vector_store %arg11[%parallel_loop3A_451, %parallel_loop3A_452], %parallel_loop3A_455 {add = true, strides = array<i32>} : memref<2x4096xf32, #tpu.memory_space<vmem>>, vector<1x16xf32>,
        %parallel_loop3A_456 = arith.constant 1 : i32
        %parallel_loop3A_457 = arith.index_cast %parallel_loop3A_456 : i32 to index
        %parallel_loop3A_458 = arith.index_cast %parallel_loop3A_444 : i32 to index
        %parallel_loop3A_459 = tpu.vector_load %arg14[%parallel_loop3A_457, %parallel_loop3A_458] {strides = array<i32>} : memref<2x4096xf32, #tpu.memory_space<vmem>>, vector<1x16xf32>,
        %parallel_loop3A_460 = vector.shape_cast %parallel_loop3A_459 : vector<1x16xf32> to vector<16xf32>
        %parallel_loop3A_461 = arith.constant 1 : i32
        %parallel_loop3A_462 = arith.index_cast %parallel_loop3A_461 : i32 to index
        %parallel_loop3A_463 = arith.index_cast %parallel_loop3A_444 : i32 to index
        %parallel_loop3A_464 = tpu.vector_load %arg11[%parallel_loop3A_462, %parallel_loop3A_463] {strides = array<i32>} : memref<2x4096xf32, #tpu.memory_space<vmem>>, vector<1x16xf32>,
        %parallel_loop3A_465 = vector.shape_cast %parallel_loop3A_464 : vector<1x16xf32> to vector<16xf32>
        %parallel_loop3A_466 = vector.shape_cast %parallel_loop3A_460 : vector<16xf32> to vector<1x16xf32>
        tpu.vector_store %arg11[%parallel_loop3A_462, %parallel_loop3A_463], %parallel_loop3A_466 {add = true, strides = array<i32>} : memref<2x4096xf32, #tpu.memory_space<vmem>>, vector<1x16xf32>,
      } {sc.loop_unroll_factor = 8 : i64, sc.parallel_access}
      %add3A_369 = arith.constant 8192 : i32
      %add3A_370 = arith.addi %add3A_369, %mul3A_2 : i32
      %mul3A_371 = arith.constant 2 : i32
      %mul3A_372 = arith.muli %add3A_356, %mul3A_371 : i32
      %add3A_373 = arith.addi %add3A_370, %mul3A_372 : i32
      %dma_start3A_374 = arith.constant 0 : i32
      %dma_start3A_375 = tpu.memref_slice %arg4[%add3A_373, %dma_start3A_374] : memref<16384x4096xf32, #tpu.memory_space<hbm>> -> memref<2x4096xf32, #tpu.memory_space<hbm>>
      %dma_start3A_376 = arith.constant 0 : i32
      %dma_start3A_377 = tpu.memref_slice %arg4[%add3A_373, %dma_start3A_376] : memref<16384x4096xf32, #tpu.memory_space<hbm>> -> memref<2x4096xf32, #tpu.memory_space<hbm>>
      tpu.enqueue_dma source(%arg11 : memref<2x4096xf32, #tpu.memory_space<vmem>>) target(%dma_start3A_377 : memref<2x4096xf32, #tpu.memory_space<hbm>>) target_semaphore(%arg29 : memref<!tpu.dma_semaphore, #tpu.memory_space<semaphore_mem>>)
      %mul3A_378 = arith.constant 2 : i32
      %mul3A_379 = arith.muli %mul3A_378, %scan3A_82 : i32
      %add3A_380 = arith.constant 8192 : i32
      %add3A_381 = arith.addi %add3A_380, %mul3A_2 : i32
      %mul3A_382 = arith.constant 2 : i32
      %mul3A_383 = arith.muli %mul3A_379, %mul3A_382 : i32
      %add3A_384 = arith.addi %add3A_381, %mul3A_383 : i32
      %dma_wait3A_385 = arith.constant 0 : i32
      %dma_wait3A_386 = tpu.memref_slice %arg4[%add3A_384, %dma_wait3A_385] : memref<16384x4096xf32, #tpu.memory_space<hbm>> -> memref<2x4096xf32, #tpu.memory_space<hbm>>
      %dma_wait3A_387 = arith.constant 0 : i32
      %dma_wait3A_388 = tpu.memref_slice %arg4[%add3A_384, %dma_wait3A_387] : memref<16384x4096xf32, #tpu.memory_space<hbm>> -> memref<2x4096xf32, #tpu.memory_space<hbm>>
      tpu.wait_dma2 semaphore(%arg25 : memref<!tpu.dma_semaphore, #tpu.memory_space<semaphore_mem>>) src(%arg7 : memref<2x4096xf32, #tpu.memory_space<vmem>>) dst(%dma_wait3A_388 : memref<2x4096xf32, #tpu.memory_space<hbm>>)
      %lt3A_389 = arith.constant 31 : i32
      %lt3A_390 = arith.cmpi slt, %scan3A_82, %lt3A_389 : i32
      %convert_element_type3A_391 = arith.extui %lt3A_390 : i1 to i32
      %cond3A_392 = arith.constant 0 : i32
      %cond3A_393 = arith.cmpi ne, %convert_element_type3A_391, %cond3A_392 : i32
      scf.if %cond3A_393 {
        %mul3A_442 = arith.constant 2 : i32
        %mul3A_443 = arith.muli %mul3A_442, %scan3A_82 : i32
        %add3A_444 = arith.constant 2 : i32
        %add3A_445 = arith.addi %mul3A_443, %add3A_444 : i32
        %add3A_446 = arith.constant 8192 : i32
        %add3A_447 = arith.addi %add3A_446, %mul3A_2 : i32
        %mul3A_448 = arith.constant 2 : i32
        %mul3A_449 = arith.muli %add3A_445, %mul3A_448 : i32
        %add3A_450 = arith.addi %add3A_447, %mul3A_449 : i32
        %dma_start3A_451 = arith.constant 0 : i32
        %dma_start3A_452 = tpu.memref_slice %arg2[%add3A_450, %dma_start3A_451] : memref<16384x4096xf32, #tpu.memory_space<hbm>> -> memref<2x4096xf32, #tpu.memory_space<hbm>>
        %dma_start3A_453 = arith.constant 0 : i32
        %dma_start3A_454 = tpu.memref_slice %arg2[%add3A_450, %dma_start3A_453] : memref<16384x4096xf32, #tpu.memory_space<hbm>> -> memref<2x4096xf32, #tpu.memory_space<hbm>>
        tpu.enqueue_dma source(%dma_start3A_454 : memref<2x4096xf32, #tpu.memory_space<hbm>>) target(%arg7 : memref<2x4096xf32, #tpu.memory_space<vmem>>) target_semaphore(%arg17 : memref<!tpu.dma_semaphore, #tpu.memory_space<semaphore_mem>>)
      } else {
      }
      %mul3A_394 = arith.constant 2 : i32
      %mul3A_395 = arith.muli %mul3A_394, %scan3A_82 : i32
      %add3A_396 = arith.constant 1 : i32
      %add3A_397 = arith.addi %mul3A_395, %add3A_396 : i32
      %add3A_398 = arith.constant 12288 : i32
      %add3A_399 = arith.addi %add3A_398, %mul3A_2 : i32
      %mul3A_400 = arith.constant 2 : i32
      %mul3A_401 = arith.muli %add3A_397, %mul3A_400 : i32
      %add3A_402 = arith.addi %add3A_399, %mul3A_401 : i32
      %dma_wait3A_403 = arith.constant 0 : i32
      %dma_wait3A_404 = tpu.memref_slice %arg2[%add3A_402, %dma_wait3A_403] : memref<16384x4096xf32, #tpu.memory_space<hbm>> -> memref<2x4096xf32, #tpu.memory_space<hbm>>
      %dma_wait3A_405 = arith.constant 0 : i32
      %dma_wait3A_406 = tpu.memref_slice %arg2[%add3A_402, %dma_wait3A_405] : memref<16384x4096xf32, #tpu.memory_space<hbm>> -> memref<2x4096xf32, #tpu.memory_space<hbm>>
      tpu.wait_dma2 semaphore(%arg22 : memref<!tpu.dma_semaphore, #tpu.memory_space<semaphore_mem>>) src(%dma_wait3A_406 : memref<2x4096xf32, #tpu.memory_space<hbm>>) dst(%arg12 : memref<2x4096xf32, #tpu.memory_space<vmem>>)
      %parallel_loop3A_407 = arith.constant 0 : i32
      %parallel_loop3A_408 = arith.constant 256 : i32
      %parallel_loop3A_409 = arith.constant 1 : i32
      scf.for %parallel_loop3A_442 = %parallel_loop3A_407 to %parallel_loop3A_408 step %parallel_loop3A_409  : i32 {
        %parallel_loop3A_443 = arith.constant 16 : i32
        %parallel_loop3A_444 = arith.muli %parallel_loop3A_442, %parallel_loop3A_443 : i32
        %parallel_loop3A_445 = arith.constant 0 : i32
        %parallel_loop3A_446 = arith.index_cast %parallel_loop3A_445 : i32 to index
        %parallel_loop3A_447 = arith.index_cast %parallel_loop3A_444 : i32 to index
        %parallel_loop3A_448 = tpu.vector_load %arg14[%parallel_loop3A_446, %parallel_loop3A_447] {strides = array<i32>} : memref<2x4096xf32, #tpu.memory_space<vmem>>, vector<1x16xf32>,
        %parallel_loop3A_449 = vector.shape_cast %parallel_loop3A_448 : vector<1x16xf32> to vector<16xf32>
        %parallel_loop3A_450 = arith.constant 0 : i32
        %parallel_loop3A_451 = arith.index_cast %parallel_loop3A_450 : i32 to index
        %parallel_loop3A_452 = arith.index_cast %parallel_loop3A_444 : i32 to index
        %parallel_loop3A_453 = tpu.vector_load %arg12[%parallel_loop3A_451, %parallel_loop3A_452] {strides = array<i32>} : memref<2x4096xf32, #tpu.memory_space<vmem>>, vector<1x16xf32>,
        %parallel_loop3A_454 = vector.shape_cast %parallel_loop3A_453 : vector<1x16xf32> to vector<16xf32>
        %parallel_loop3A_455 = vector.shape_cast %parallel_loop3A_449 : vector<16xf32> to vector<1x16xf32>
        tpu.vector_store %arg12[%parallel_loop3A_451, %parallel_loop3A_452], %parallel_loop3A_455 {add = true, strides = array<i32>} : memref<2x4096xf32, #tpu.memory_space<vmem>>, vector<1x16xf32>,
        %parallel_loop3A_456 = arith.constant 1 : i32
        %parallel_loop3A_457 = arith.index_cast %parallel_loop3A_456 : i32 to index
        %parallel_loop3A_458 = arith.index_cast %parallel_loop3A_444 : i32 to index
        %parallel_loop3A_459 = tpu.vector_load %arg14[%parallel_loop3A_457, %parallel_loop3A_458] {strides = array<i32>} : memref<2x4096xf32, #tpu.memory_space<vmem>>, vector<1x16xf32>,
        %parallel_loop3A_460 = vector.shape_cast %parallel_loop3A_459 : vector<1x16xf32> to vector<16xf32>
        %parallel_loop3A_461 = arith.constant 1 : i32
        %parallel_loop3A_462 = arith.index_cast %parallel_loop3A_461 : i32 to index
        %parallel_loop3A_463 = arith.index_cast %parallel_loop3A_444 : i32 to index
        %parallel_loop3A_464 = tpu.vector_load %arg12[%parallel_loop3A_462, %parallel_loop3A_463] {strides = array<i32>} : memref<2x4096xf32, #tpu.memory_space<vmem>>, vector<1x16xf32>,
        %parallel_loop3A_465 = vector.shape_cast %parallel_loop3A_464 : vector<1x16xf32> to vector<16xf32>
        %parallel_loop3A_466 = vector.shape_cast %parallel_loop3A_460 : vector<16xf32> to vector<1x16xf32>
        tpu.vector_store %arg12[%parallel_loop3A_462, %parallel_loop3A_463], %parallel_loop3A_466 {add = true, strides = array<i32>} : memref<2x4096xf32, #tpu.memory_space<vmem>>, vector<1x16xf32>,
      } {sc.loop_unroll_factor = 8 : i64, sc.parallel_access}
      %add3A_410 = arith.constant 12288 : i32
      %add3A_411 = arith.addi %add3A_410, %mul3A_2 : i32
      %mul3A_412 = arith.constant 2 : i32
      %mul3A_413 = arith.muli %add3A_397, %mul3A_412 : i32
      %add3A_414 = arith.addi %add3A_411, %mul3A_413 : i32
      %dma_start3A_415 = arith.constant 0 : i32
      %dma_start3A_416 = tpu.memref_slice %arg4[%add3A_414, %dma_start3A_415] : memref<16384x4096xf32, #tpu.memory_space<hbm>> -> memref<2x4096xf32, #tpu.memory_space<hbm>>
      %dma_start3A_417 = arith.constant 0 : i32
      %dma_start3A_418 = tpu.memref_slice %arg4[%add3A_414, %dma_start3A_417] : memref<16384x4096xf32, #tpu.memory_space<hbm>> -> memref<2x4096xf32, #tpu.memory_space<hbm>>
      tpu.enqueue_dma source(%arg12 : memref<2x4096xf32, #tpu.memory_space<vmem>>) target(%dma_start3A_418 : memref<2x4096xf32, #tpu.memory_space<hbm>>) target_semaphore(%arg30 : memref<!tpu.dma_semaphore, #tpu.memory_space<semaphore_mem>>)
      %add3A_419 = arith.constant 2 : i32
      %add3A_420 = arith.addi %add3A_397, %add3A_419 : i32
      %lt3A_421 = arith.constant 64 : i32
      %lt3A_422 = arith.cmpi slt, %add3A_420, %lt3A_421 : i32
      %convert_element_type3A_423 = arith.extui %lt3A_422 : i1 to i32
      %cond3A_424 = arith.constant 0 : i32
      %cond3A_425 = arith.cmpi ne, %convert_element_type3A_423, %cond3A_424 : i32
      scf.if %cond3A_425 {
        %add3A_442 = arith.constant 2 : i32
        %add3A_443 = arith.addi %add3A_397, %add3A_442 : i32
        %mul3A_444 = arith.constant 2 : i32
        %mul3A_445 = arith.muli %add3A_443, %mul3A_444 : i32
        %add3A_446 = arith.addi %mul3A_2, %mul3A_445 : i32
        %dma_start3A_447 = arith.constant 0 : i32
        %dma_start3A_448 = tpu.memref_slice %arg3[%add3A_446, %dma_start3A_447] : memref<8192x4096xf32, #tpu.memory_space<hbm>> -> memref<2x4096xf32, #tpu.memory_space<hbm>>
        %dma_start3A_449 = arith.constant 0 : i32
        %dma_start3A_450 = tpu.memref_slice %arg3[%add3A_446, %dma_start3A_449] : memref<8192x4096xf32, #tpu.memory_space<hbm>> -> memref<2x4096xf32, #tpu.memory_space<hbm>>
        tpu.enqueue_dma source(%dma_start3A_450 : memref<2x4096xf32, #tpu.memory_space<hbm>>) target(%arg14 : memref<2x4096xf32, #tpu.memory_space<vmem>>) target_semaphore(%arg32 : memref<!tpu.dma_semaphore, #tpu.memory_space<semaphore_mem>>)
      } else {
      }
      %mul3A_426 = arith.constant 2 : i32
      %mul3A_427 = arith.muli %mul3A_426, %scan3A_82 : i32
      %add3A_428 = arith.constant 12288 : i32
      %add3A_429 = arith.addi %add3A_428, %mul3A_2 : i32
      %mul3A_430 = arith.constant 2 : i32
      %mul3A_431 = arith.muli %mul3A_427, %mul3A_430 : i32
      %add3A_432 = arith.addi %add3A_429, %mul3A_431 : i32
      %dma_wait3A_433 = arith.constant 0 : i32
      %dma_wait3A_434 = tpu.memref_slice %arg4[%add3A_432, %dma_wait3A_433] : memref<16384x4096xf32, #tpu.memory_space<hbm>> -> memref<2x4096xf32, #tpu.memory_space<hbm>>
      %dma_wait3A_435 = arith.constant 0 : i32
      %dma_wait3A_436 = tpu.memref_slice %arg4[%add3A_432, %dma_wait3A_435] : memref<16384x4096xf32, #tpu.memory_space<hbm>> -> memref<2x4096xf32, #tpu.memory_space<hbm>>
      tpu.wait_dma2 semaphore(%arg26 : memref<!tpu.dma_semaphore, #tpu.memory_space<semaphore_mem>>) src(%arg8 : memref<2x4096xf32, #tpu.memory_space<vmem>>) dst(%dma_wait3A_436 : memref<2x4096xf32, #tpu.memory_space<hbm>>)
      %lt3A_437 = arith.constant 31 : i32
      %lt3A_438 = arith.cmpi slt, %scan3A_82, %lt3A_437 : i32
      %convert_element_type3A_439 = arith.extui %lt3A_438 : i1 to i32
      %cond3A_440 = arith.constant 0 : i32
      %cond3A_441 = arith.cmpi ne, %convert_element_type3A_439, %cond3A_440 : i32
      scf.if %cond3A_441 {
        %mul3A_442 = arith.constant 2 : i32
        %mul3A_443 = arith.muli %mul3A_442, %scan3A_82 : i32
        %add3A_444 = arith.constant 2 : i32
        %add3A_445 = arith.addi %mul3A_443, %add3A_444 : i32
        %add3A_446 = arith.constant 12288 : i32
        %add3A_447 = arith.addi %add3A_446, %mul3A_2 : i32
        %mul3A_448 = arith.constant 2 : i32
        %mul3A_449 = arith.muli %add3A_445, %mul3A_448 : i32
        %add3A_450 = arith.addi %add3A_447, %mul3A_449 : i32
        %dma_start3A_451 = arith.constant 0 : i32
        %dma_start3A_452 = tpu.memref_slice %arg2[%add3A_450, %dma_start3A_451] : memref<16384x4096xf32, #tpu.memory_space<hbm>> -> memref<2x4096xf32, #tpu.memory_space<hbm>>
        %dma_start3A_453 = arith.constant 0 : i32
        %dma_start3A_454 = tpu.memref_slice %arg2[%add3A_450, %dma_start3A_453] : memref<16384x4096xf32, #tpu.memory_space<hbm>> -> memref<2x4096xf32, #tpu.memory_space<hbm>>
        tpu.enqueue_dma source(%dma_start3A_454 : memref<2x4096xf32, #tpu.memory_space<hbm>>) target(%arg8 : memref<2x4096xf32, #tpu.memory_space<vmem>>) target_semaphore(%arg18 : memref<!tpu.dma_semaphore, #tpu.memory_space<semaphore_mem>>)
      } else {
      }
    }
    %scan3A_50 = arith.constant 32 : i32
    %add3A_51 = arith.constant 0 : i32
    %add3A_52 = arith.addi %add3A_51, %mul3A_2 : i32
    %add3A_53 = arith.constant 126 : i32
    %add3A_54 = arith.addi %add3A_52, %add3A_53 : i32
    %dma_wait3A = arith.constant 0 : i32
    %dma_wait3A_55 = tpu.memref_slice %arg4[%add3A_54, %dma_wait3A] : memref<16384x4096xf32, #tpu.memory_space<hbm>> -> memref<2x4096xf32, #tpu.memory_space<hbm>>
    %dma_wait3A_56 = arith.constant 0 : i32
    %dma_wait3A_57 = tpu.memref_slice %arg4[%add3A_54, %dma_wait3A_56] : memref<16384x4096xf32, #tpu.memory_space<hbm>> -> memref<2x4096xf32, #tpu.memory_space<hbm>>
    tpu.wait_dma2 semaphore(%arg27 : memref<!tpu.dma_semaphore, #tpu.memory_space<semaphore_mem>>) src(%arg9 : memref<2x4096xf32, #tpu.memory_space<vmem>>) dst(%dma_wait3A_57 : memref<2x4096xf32, #tpu.memory_space<hbm>>)
    %add3A_58 = arith.constant 4096 : i32
    %add3A_59 = arith.addi %add3A_58, %mul3A_2 : i32
    %add3A_60 = arith.constant 126 : i32
    %add3A_61 = arith.addi %add3A_59, %add3A_60 : i32
    %dma_wait3A_62 = arith.constant 0 : i32
    %dma_wait3A_63 = tpu.memref_slice %arg4[%add3A_61, %dma_wait3A_62] : memref<16384x4096xf32, #tpu.memory_space<hbm>> -> memref<2x4096xf32, #tpu.memory_space<hbm>>
    %dma_wait3A_64 = arith.constant 0 : i32
    %dma_wait3A_65 = tpu.memref_slice %arg4[%add3A_61, %dma_wait3A_64] : memref<16384x4096xf32, #tpu.memory_space<hbm>> -> memref<2x4096xf32, #tpu.memory_space<hbm>>
    tpu.wait_dma2 semaphore(%arg28 : memref<!tpu.dma_semaphore, #tpu.memory_space<semaphore_mem>>) src(%arg10 : memref<2x4096xf32, #tpu.memory_space<vmem>>) dst(%dma_wait3A_65 : memref<2x4096xf32, #tpu.memory_space<hbm>>)
    %add3A_66 = arith.constant 8192 : i32
    %add3A_67 = arith.addi %add3A_66, %mul3A_2 : i32
    %add3A_68 = arith.constant 126 : i32
    %add3A_69 = arith.addi %add3A_67, %add3A_68 : i32
    %dma_wait3A_70 = arith.constant 0 : i32
    %dma_wait3A_71 = tpu.memref_slice %arg4[%add3A_69, %dma_wait3A_70] : memref<16384x4096xf32, #tpu.memory_space<hbm>> -> memref<2x4096xf32, #tpu.memory_space<hbm>>
    %dma_wait3A_72 = arith.constant 0 : i32
    %dma_wait3A_73 = tpu.memref_slice %arg4[%add3A_69, %dma_wait3A_72] : memref<16384x4096xf32, #tpu.memory_space<hbm>> -> memref<2x4096xf32, #tpu.memory_space<hbm>>
    tpu.wait_dma2 semaphore(%arg29 : memref<!tpu.dma_semaphore, #tpu.memory_space<semaphore_mem>>) src(%arg11 : memref<2x4096xf32, #tpu.memory_space<vmem>>) dst(%dma_wait3A_73 : memref<2x4096xf32, #tpu.memory_space<hbm>>)
    %add3A_74 = arith.constant 12288 : i32
    %add3A_75 = arith.addi %add3A_74, %mul3A_2 : i32
    %add3A_76 = arith.constant 126 : i32
    %add3A_77 = arith.addi %add3A_75, %add3A_76 : i32
    %dma_wait3A_78 = arith.constant 0 : i32
    %dma_wait3A_79 = tpu.memref_slice %arg4[%add3A_77, %dma_wait3A_78] : memref<16384x4096xf32, #tpu.memory_space<hbm>> -> memref<2x4096xf32, #tpu.memory_space<hbm>>
    %dma_wait3A_80 = arith.constant 0 : i32
    %dma_wait3A_81 = tpu.memref_slice %arg4[%add3A_77, %dma_wait3A_80] : memref<16384x4096xf32, #tpu.memory_space<hbm>> -> memref<2x4096xf32, #tpu.memory_space<hbm>>
    tpu.wait_dma2 semaphore(%arg30 : memref<!tpu.dma_semaphore, #tpu.memory_space<semaphore_mem>>) src(%arg12 : memref<2x4096xf32, #tpu.memory_space<vmem>>) dst(%dma_wait3A_81 : memref<2x4096xf32, #tpu.memory_space<hbm>>)
    return
  }
}

</mosaic_0001>

<sc_bundles>
// kernel: kernel.3.cloned.1.call-start
scs
__scs_entry_jumppad:
0x0: {  	(pc) =	sbr.rel $0x88, $3  }
0x1: {  	(tag) =	ssettag $0x0;
	lr =	simm.s32 $0x1  }
0x2: {  	[smem:$0x3F9F] =	sst lr;
	_ =	strace $0xD0000000  }
0x3: {  	_ = 	snop  }
0x4: {  	_ = 	snop  }
0x5: {  	_ = 	snop  }
0x6: {  	_ = 	snop  }
0x7: {  	_ = 	snop  }
__scs_overlays_trampoline_lowered:
0x8: {  	[smem:$0x3FAE] =	sst s0  }
0x9: {  	[smem:$0x3FAF] =	sst s1  }
0xa: {  	[smem:$0x3FB0] =	sst s2  }
0xb: {  	[smem:$0x3FB1] =	sst s3  }
0xc: {  	[smem:$0x3FB2] =	sst s4  }
0xd: {  	[smem:$0x3FB3] =	sst s5  }
0xe: {  	[smem:$0x3FB4] =	sst s6  }
0xf: {  	[smem:$0x3FB5] =	sst s7  }
0x10: {  	[smem:$0x3FB6] =	sst s8  }
0x11: {  	[smem:$0x3FB7] =	sst s9;
	s0 =	simm.s32 @!p0 $0x0  }
0x12: {  	s1 =	sld [smem:$0x3F9D];
	s0 =	simm.s32 @p0 $0x1  }
0x13: {  	[smem:$0x3FB8] =	sst s0;
	s0 =	simm.s32 @!p1 $0x0  }
0x14: {  	s2 =	sld [smem:$0x3F9C];
	s0 =	simm.s32 @p1 $0x1  }
0x15: {  	[smem:$0x3FB9] =	sst s0;
	s0 =	simm.s32 @!p2 $0x0  }
0x16: {  	s3 =	sld [smem:$0x3FDB];
	s0 =	simm.s32 @p2 $0x1  }
0x17: {  	s4 =	simm.s32 $0x1BF5;
	[smem:$0x3FBB] =	sst s0  }
0x18: {  	s0 =	sld [smem:$0x3F9E];
	_ =	swait.ge [sflag:s4], $0x0  }
0x19: {  	s7 =	sld [smem:$0x3F9F]  }
0x1a: {  	s8 =	sadd.s32 $0xFFFFE003, lr  }
0x1b: {  	s9 =	sadd.s32 $0xFFFFFEF7, lr;
	s5 =	simm.s32 $0xFFFFFFFF;
	p2 =	slt.u32 s8, $0xFFFFF086  }
0x1c: {  	p1 =	slt.u32 s9, $0xF7A;
	s5 =	simm.s32 @!p2 $0x0  }
0x1d: {  	s5 =	simm.s32 @p1 $0x1;
	p0 =	seq.s32 s7, s2  }
0x1e: {  	s7 =	smul.u32 @!p0 $0xF7A, s2;
	p2 =	seq.s32 @!p0 s5, $0x0  }
0x1f: {  	s9 =	smul.u32 $0xF7A, s1;
	s8 =	simm.s32 @!p0 $0x1BF5;
	p2 =	por !p2, p0  }
0x20: {  	[sflag:s8] =	ssyncset.s32 @!p0 $0xFFFFF086;
	s6 =	sadd.s32 @!p0 s3, s7;
	s7 =	simm.s32 @!p0 $0x108  }
0x21: {  	s3 =	sadd.s32 s3, s9;
	s6 =	sadd.s32 @!p0 $0x88, s6;
	s7 =	simm.s32 @p2 $0x1082  }
0x22: {  	[simem:s7], [sflag:s8] =	dma.local @!p0 [hbm:s6], $0xF7A  }
0x23: {  	s9 =	sor.u32 $0xD0000000, s2;
	s6 =	simm.s32 $0x108;
	_ =	swait.ge @!p0 [sflag:s8], $0x0  }
0x24: {  	s3 =	sadd.s32 $0x88, s3;
	s6 =	simm.s32 @!p1 $0x1082;
	[sflag:s4] =	ssyncset.s32 $0xFFFFF086  }
0x25: {  	[simem:s6], [sflag:s4] =	dma.local [hbm:s3], $0xF7A  }
0x26: {  	[smem:$0x3F9F] =	sst s1;
	(tag) =	ssettag s2;
	_ =	strace s9  }
0x27: {  	s1 =	sld [smem:$0x3FAF]  }
0x28: {  	s2 =	sld [smem:$0x3FB0]  }
0x29: {  	s4 =	sld [smem:$0x3FB2]  }
0x2a: {  	p0 =	seq.s32 s5, $0x0;
	s5 =	sld [smem:$0x3FB3]  }
0x2b: {  	s6 =	sld [smem:$0x3FB4]  }
0x2c: {  	s7 =	sld [smem:$0x3FB5]  }
0x2d: {  	s3 =	simm.s32 $0x108;
	s8 =	sld [smem:$0x3FB6]  }
0x2e: {  	s3 =	simm.s32 @!p0 $0x1082;
	s9 =	sld [smem:$0x3FB7]  }
0x2f: {  	lr =	sadd.s32 s0, s3;
	s0 =	sld [smem:$0x3FAE]  }
0x30: {  	s3 =	sld [smem:$0x3FB1]  }
0x31: {  	[smem:$0x3FBA] =	sst s10  }
0x32: {  	s10 =	sld [smem:$0x3FB8];
	_ =	sdelay $0x3  }
0x33: {  	p0 =	seq.s32 s10, $0x1;
	s10 =	sld [smem:$0x3FBA];
	_ =	sdelay $0x3  }
0x34: {  	[smem:$0x3FBA] =	sst s10  }
0x35: {  	s10 =	sld [smem:$0x3FB9];
	_ =	sdelay $0x3  }
0x36: {  	p1 =	seq.s32 s10, $0x1;
	s10 =	sld [smem:$0x3FBA];
	_ =	sdelay $0x3  }
0x37: {  	[smem:$0x3FBA] =	sst s10  }
0x38: {  	s10 =	sld [smem:$0x3FBB]  }
0x39: {  	_ = 	snop;
	(pc) =	sbr.ind lr, $3  }
0x3a: {  	_ = 	snop  }
0x3b: {  	_ = 	snop  }
0x3c: {  	p2 =	seq.s32 s10, $0x1;
	s10 =	sld [smem:$0x3FBA]  }
0x3d: {  	_ =	shalt  }
0x3e: {  	_ =	shalt  }
0x3f: {  	_ =	shalt  }
0x40: {  	_ =	shalt  }
0x41: {  	_ =	shalt  }
0x42: {  	_ =	shalt  }
0x43: {  	_ =	shalt  }
0x44: {  	_ =	shalt  }
0x45: {  	_ =	shalt  }
0x46: {  	_ =	shalt  }
0x47: {  	_ =	shalt  }
0x48: {  	_ =	shalt  }
0x49: {  	_ =	shalt  }
0x4a: {  	_ =	shalt  }
0x4b: {  	_ =	shalt  }
0x4c: {  	_ =	shalt  }
0x4d: {  	_ =	shalt  }
0x4e: {  	_ =	shalt  }
0x4f: {  	_ =	shalt  }
0x50: {  	_ =	shalt  }
0x51: {  	_ =	shalt  }
0x52: {  	_ =	shalt  }
0x53: {  	_ =	shalt  }
0x54: {  	_ =	shalt  }
0x55: {  	_ =	shalt  }
0x56: {  	_ =	shalt  }
0x57: {  	_ =	shalt  }
0x58: {  	_ =	shalt  }
0x59: {  	_ =	shalt  }
0x5a: {  	_ =	shalt  }
0x5b: {  	_ =	shalt  }
0x5c: {  	_ =	shalt  }
0x5d: {  	_ =	shalt  }
0x5e: {  	_ =	shalt  }
0x5f: {  	_ =	shalt  }
0x60: {  	_ =	shalt  }
0x61: {  	_ =	shalt  }
0x62: {  	_ =	shalt  }
0x63: {  	_ =	shalt  }
0x64: {  	_ =	shalt  }
0x65: {  	_ =	shalt  }
0x66: {  	_ =	shalt  }
0x67: {  	_ =	shalt  }
0x68: {  	_ =	shalt  }
0x69: {  	_ =	shalt  }
0x6a: {  	_ =	shalt  }
0x6b: {  	_ =	shalt  }
0x6c: {  	_ =	shalt  }
0x6d: {  	_ =	shalt  }
0x6e: {  	_ =	shalt  }
0x6f: {  	_ =	shalt  }
0x70: {  	_ =	shalt  }
0x71: {  	_ =	shalt  }
0x72: {  	_ =	shalt  }
0x73: {  	_ =	shalt  }
0x74: {  	_ =	shalt  }
0x75: {  	_ =	shalt  }
0x76: {  	_ =	shalt  }
0x77: {  	_ =	shalt  }
0x78: {  	_ =	shalt  }
0x79: {  	_ =	shalt  }
0x7a: {  	_ =	shalt  }
0x7b: {  	_ =	shalt  }
0x7c: {  	_ =	shalt  }
0x7d: {  	_ =	shalt  }
0x7e: {  	_ =	shalt  }
0x7f: {  	_ =	shalt  }
0x80: {  	_ =	shalt  }
0x81: {  	_ =	shalt  }
0x82: {  	_ =	shalt  }
0x83: {  	_ =	shalt  }
0x84: {  	_ =	shalt  }
0x85: {  	_ =	shalt  }
0x86: {  	_ =	shalt  }
0x87: {  	_ =	shalt  }
.Lfunc_end0:
.L_simem_size_0:
called_computation_lowered:
.L_overlay_start_0:
0x88: {  	s2 =	sld [smem:$0x3FD9]  }
0x89: {  	s3 =	sld [smem:$0x3FFE];
	_ =	sdelay $0x1  }
0x8a: {  	s1 =	srdreg.scid  }
0x8b: {  	s0 =	sand.u32 $0x1, s1  }
0x8c: {  	s18 =	sshll.u32 s0, $0xA;
	s2 =	sadd.s32 s3, s2  }
0x8d: {  	s2 =	sadd.s32 s2, s18  }
0x8e: {  	[smem:$0x3FC6] =	sst s2  }
0x8f: {  	_ = 	snop  }
0x90: {  	s2 =	sld [smem:$0x3FC9]  }
0x91: {  	s19 =	sld [smem:$0x3FC8]  }
0x92: {  	s4 =	sld [smem:$0x3FD0];
	(tm) =	ssettm $0x1  }
0x93: {  	s5 =	sld [smem:$0x3FFB];
	_ =	sdelay $0x3  }
0x94: {  	_ =	strace s5  }
0x95: {  	s5 =	sld [smem:$0x3FFC];
	_ =	sdelay $0x3  }
0x96: {  	_ =	strace s5  }
0x97: {  	s5 =	sld [smem:$0x3FFD];
	_ =	sdelay $0x3  }
0x98: {  	_ =	strace s5  }
0x99: {  	_ =	strace $0x8FFFFFFF  }
0x9a: {  	s20 =	sld [smem:$0x3FDB];
	_ =	sdelay $0x1  }
0x9b: {  	s6 =	simm.s32 $_scs_section_size  }
0x9c: {  	s7 =	simm.s32 $_size__tile_overlayer_lowered;
	s8 =	simm.s32 $_tile_overlayer_lowered  }
0x9d: {  	s23 =	simm.s32 $0x1BFF;
	s22 =	sshll.u32 s8, $0x1;
	s5 =	sadd.s32 s6, s20  }
0x9e: {  	s9 =	simm.s32 $0x0;
	s21 =	sshll.u32 s7, $0x1;
	s7 =	sadd.s32 s22, s5  }
0x9f: {  	[timem:s9], [sflag:s23] =	dma.local [hbm:s7], s21  }
0xa0: {  	_ =	swait.ge [sflag:s23], s21  }
0xa1: {  	s6 =	ssub.s32 $0x0, s21;
	[sflag:s23] =	ssyncset.done $0x0  }
0xa2: {  	[sflag:s23] =	ssyncadd.s32 s6;
	_ =	sdelay $0x1  }
0xa3: {  	s24 =	simm.s32 $0x1B8B  }
0xa4: {  	_ =	swait.ge [sflag:s24], $0x1  }
0xa5: {  	[sflag:s24] =	ssyncset.done $0x0  }
0xa6: {  	s25 =	simm.s32 $0x1B8E;
	[sflag:s24] =	ssyncadd.s32 $0xFFFFFFFF  }
0xa7: {  	s26 =	simm.s32 $execute0_lowered;
	[smem:$0x3FD2] =	sst s25  }
0xa8: {  	s6 =	sshll.u32 s26, $0x1;
	_ =	strace $0x80000046;
	[dreg:$0x1] =	wrdreg $0xFFFFFFFF  }
0xa9: {  	s28 =	simm.s32 $_size_execute0_lowered;
	s5 =	sadd.s32 s5, s6;
	[dreg:$0x0] =	wrdreg $0x0  }
0xaa: {  	s6 =	sshll.u32 s28, $0x1;
	[dreg:$0x2] =	wrdreg s5  }
0xab: {  	[dreg:$0x3] =	wrdreg s6  }
0xac: {  	[dreg:$0x4] =	wrdreg $0xC0  }
0xad: {  	_ =	task [dreg:s9], $0x5FFFF  }
0xae: {  	[dreg:$0x1] =	wrdreg $0xFFFFFFFF  }
0xaf: {  	[dreg:$0x0] =	wrdreg $0x60  }
0xb0: {  	[dreg:$0x2] =	wrdreg s2  }
0xb1: {  	[dreg:$0x3] =	wrdreg s19  }
0xb2: {  	[dreg:$0x4] =	wrdreg s4  }
0xb3: {  	[dreg:$0x5] =	wrdreg $0x9  }
0xb4: {  	_ =	task.clear_ibuf [dreg:s9], $0x6FFFF;
	_ =	strace $0x90000046  }
0xb5: {  	s29 =	simm.s32 $0x9;
	_ =	strace $0x80000048  }
0xb6: {  	_ =	swait.ge [sflag:s29], $0x1  }
0xb7: {  	[sflag:s29] =	ssyncadd.s32 $0xFFFFFFFF  }
0xb8: {  	_ =	strace $0x90000048  }
0xb9: {  	_ =	sfence  }
0xba: {  	s30 =	sld [smem:$0x0];
	_ =	sdelay $0x2  }
0xbb: {  	s31 =	sshll.u32 s1, $0xD;
	s1 =	sshrl.u32 s1, $0x2  }
0xbc: {  	s3 =	sand.u32 $0x4000, s31;
	s1 =	sadd.s32 s1, s30  }
0xbd: {  	s0 =	sor.u32 s3, s0;
	s1 =	sshll.u32 s1, $0x11  }
0xbe: {  	s0 =	sor.u32 s1, s0  }
0xbf: {  	s0 =	sadd.s32 $0x8F2B, s0  }
0xc0: {  	[sflag:s0] =	ssyncadd.remote.s32 $0x1  }
0xc1: {  	_ =	sfence.sel $0xFFFF  }
0xc2: {  	[dreg:$0x0] =	wrdreg $0xFFFFFFFF;
	(pc) =	sbr.abs _section_cstart, $3  }
0xc3: {  	[dreg:$0x1] =	wrdreg $0xFFFFFFFF  }
0xc4: {  	_ =	task.clear_ibuf [dreg:s9], $0x2FFFF;
	_ =	strace $0x9FFFFFFF  }
0xc5: {  	(tm) =	ssettm $0x7FFFFFFF  }
tec
execute0_lowered:
.L_overlay_start_1:
0x0: {  	(tag) =	ssettag $0x1  }
0x1: {  	s2 =	rddreg [dreg:$0x0]  }
0x2: {  	s5 =	rddreg [dreg:$0x1];
	s0 =	srdreg.scid  }
0x3: {  	s4 =	rddreg [dreg:$0x2];
	s3 =	stileid.u32  }
0x4: {  	s6 =	simm.s32 $0x0;
	s21 =	simm.s32 $0x100;
	s17 =	simm.s32 $0x6000  }
0x5: {  	s29 =	simm.s32 $0x8000;
	s15 =	simm.s32 $0xA000;
	s30 =	simm.s32 $0xC000  }
0x6: {  	s10 =	simm.s32 $0x4;
	s18 =	simm.s32 $0x12;
	s0 =	sand.u32 $0x1, s0  }
0x7: {  	s19 =	simm.s32 $0x5;
	s3 =	sshll.u32 s3, $0x7;
	s1 =	sshll.u32 s0, $0xB  }
0x8: {  	s20 =	simm.s32 $0x9;
	[smem:$0x7FF] =	sst s6;
	s3 =	sor.u32 s3, s1  }
0x9: {  	_ =	strace $0x80000047;
	s25 =	sor.u32 $0x1000, s3;
	[dreg:$0x4] =	wrdreg s3  }
0xa: {  	s8 =	simm.s32 $0x6;
	s26 =	sor.u32 $0x2000, s3;
	[dreg:$0x8] =	wrdreg s25  }
0xb: {  	s7 =	sshll.u32 s3, $0x9;
	s3 =	sor.u32 $0x3000, s3;
	[dreg:$0xa] =	wrdreg s26  }
0xc: {  	s6 =	simm.s32 $0x0;
	s23 =	sadd.s32 s5, s7;
	[dreg:$0xb] =	wrdreg s3  }
0xd: {  	s0 =	ssub.s32 $0x2, s0;
	s24 =	sadd.s32 s2, s7;
	[dreg:$0x5] =	wrdreg s23  }
0xe: {  	s22 =	sshrl.u32 s0, $0x1;
	s28 =	sshll.u32 s26, $0x9;
	[dreg:$0x7] =	wrdreg s24  }
0xf: {  	s0 =	ssub.s32 s0, s22;
	s3 =	sshll.u32 s3, $0x9;
	[dreg:$0xd] =	wrdreg s28  }
0x10: {  	s22 =	simm.s32 $0x400;
	s0 =	smax.u32 s0, $0x1;
	[dreg:$0xe] =	wrdreg s3  }
0x11: {  	s5 =	simm.s32 $0x7;
	s1 =	sadd.s32 $0x20, s23;
	[dreg:$0x11] =	wrdreg s0  }
.Ltmp0:
0x12: {  	s31 =	sadd.s32 s2, s3;
	[dreg:$0x6] =	wrdreg s1;
	(pc) =	sbr.rel .LBB2_1-.Ltmp0, $4  }
0x13: {  	s26 =	simm.s32 $0x8;
	s1 =	sshll.u32 s25, $0x9;
	[dreg:$0x10] =	wrdreg s31  }
0x14: {  	s23 =	simm.s32 $0x3;
	[dreg:$0x9] =	wrdreg s1;
	s1 =	sadd.s32 s2, s1  }
0x15: {  	s24 =	simm.s32 $0xA;
	[dreg:$0xc] =	wrdreg s1;
	s1 =	sadd.s32 s2, s28  }
0x16: {  	s3 =	simm.s32 $0xC;
	s25 =	simm.s32 $0xB;
	[dreg:$0xf] =	wrdreg s1  }
.LBB2_20:
0x17: {  	_ =	swait.ge [sflag:s3], $0x2000  }
0x18: {  	[sflag:s3] =	ssyncset.done $0x0  }
0x19: {  	s0 =	simm.s32 $0xD;
	[sflag:s3] =	ssyncadd.s32 $0xFFFFE000  }
0x1a: {  	_ =	swait.ge [sflag:s0], $0x2000  }
0x1b: {  	[sflag:s0] =	ssyncset.done $0x0  }
0x1c: {  	s16 =	simm.s32 $0xE;
	[sflag:s0] =	ssyncadd.s32 $0xFFFFE000  }
0x1d: {  	_ =	swait.ge [sflag:s16], $0x2000  }
0x1e: {  	[sflag:s16] =	ssyncset.done $0x0  }
0x1f: {  	s28 =	simm.s32 $0xF;
	[sflag:s16] =	ssyncadd.s32 $0xFFFFE000  }
0x20: {  	_ =	swait.ge [sflag:s28], $0x2000  }
0x21: {  	[sflag:s28] =	ssyncset.done $0x0  }
0x22: {  	s1 =	simm.s32 $0x10;
	[sflag:s28] =	ssyncadd.s32 $0xFFFFE000  }
0x23: {  	_ =	swait.ge [sflag:s1], $0x2000  }
0x24: {  	s6 =	rddreg [dreg:$0x12]  }
0x25: {  	s31 =	rddreg [dreg:$0x11];
	s6 =	sadd.s32 $0x1, s6  }
0x26: {  	p0 =	sne.s32 s6, s31  }
.Ltmp1:
0x27: {  	_ = 	snop;
	(pc) =	sbr.rel @!p0 .LBB2_21-.Ltmp1, $3  }
0x28: {  	_ =	sdelay $0x1  }
0x29: {  	[sflag:s1] =	ssyncset.done $0x0  }
0x2a: {  	[sflag:s1] =	ssyncadd.s32 $0xFFFFE000  }
.LBB2_1:
0x2b: {  	[dreg:$0x12] =	wrdreg s6  }
0x2c: {  	s0 =	rddreg [dreg:$0x5];
	s1 =	simm.s32 $0x10000  }
0x2d: {  	[tilespmem:s1], [sflag:$0x11] =	stream.strided.gather [hbm4b:s0+s21], $0x2000, s22, s21, $0x38;
	[tilespmem:$0x14000] =	vst v63  }
0x2e: {  	s6 =	rddreg [dreg:$0x6];
	s9 =	simm.s32 $0x12000  }
0x2f: {  	[tilespmem:s9], [sflag:$0x12] =	stream.strided.gather [hbm4b:s6+s21], $0x2000, s22, s21, $0x38;
	[tilespmem:$0x14000] =	vst v63  }
0x30: {  	s11 =	simm.s32 $0x0;
	s12 =	rddreg [dreg:$0x7]  }
0x31: {  	[tilespmem:s11], [sflag:$0x1] =	stream.strided.gather [hbm4b:s12+s21], $0x2000, s22, s21, $0x38;
	[tilespmem:$0x14000] =	vst v63  }
0x32: {  	s13 =	rddreg [dreg:$0xc];
	s14 =	simm.s32 $0x2000  }
0x33: {  	[tilespmem:s14], [sflag:$0x2] =	stream.strided.gather [hbm4b:s13+s21], $0x2000, s22, s21, $0x38;
	[tilespmem:$0x14000] =	vst v63  }
0x34: {  	s16 =	rddreg [dreg:$0xf];
	s28 =	simm.s32 $0x4000  }
0x35: {  	[tilespmem:s28], [sflag:$0x3] =	stream.strided.gather [hbm4b:s16+s21], $0x2000, s22, s21, $0x38;
	[tilespmem:$0x14000] =	vst v63  }
0x36: {  	s31 =	rddreg [dreg:$0x10];
	s6 =	simm.s32 $0x0  }
0x37: {  	[tilespmem:s17], [sflag:$0x4] =	stream.strided.gather [hbm4b:s31+s21], $0x2000, s22, s21, $0x38;
	[tilespmem:$0x14000] =	vst v63  }
.LBB2_2:
0x38: {  	s0 =	simm.s32 $0x11  }
0x39: {  	_ =	swait.ge [sflag:s0], $0x2000  }
0x3a: {  	[sflag:s0] =	ssyncset.done $0x0  }
0x3b: {  	s31 =	simm.s32 $0x1;
	[sflag:s0] =	ssyncadd.s32 $0xFFFFE000  }
0x3c: {  	_ =	swait.ge [sflag:s31], $0x2000  }
0x3d: {  	[sflag:s31] =	ssyncset.done $0x0  }
0x3e: {  	s1 =	simm.s32 $0x0;
	[sflag:s31] =	ssyncadd.s32 $0xFFFFE000  }
0x3f: {  	v0 =	vld [tilespmem:s1+$0x100F0]  }
0x40: {  	v1 =	vld [tilespmem:s1+$0x10000]  }
0x41: {  	v2 =	vld [tilespmem:s1+$0x10080]  }
0x42: {  	v3 =	vld [tilespmem:s1+$0x10010]  }
0x43: {  	v4 =	vld [tilespmem:s1+$0x10090]  }
0x44: {  	v5 =	vld [tilespmem:s1+$0x10020]  }
0x45: {  	v6 =	vld [tilespmem:s1+$0x100A0]  }
0x46: {  	v7 =	vld [tilespmem:s1+$0x10030]  }
0x47: {  	v8 =	vld [tilespmem:s1+$0x100B0]  }
0x48: {  	v9 =	vld [tilespmem:s1+$0x10040]  }
0x49: {  	v10 =	vld [tilespmem:s1+$0x100C0]  }
0x4a: {  	v11 =	vld [tilespmem:s1+$0x10050]  }
0x4b: {  	v12 =	vld [tilespmem:s1+$0x100D0]  }
0x4c: {  	v13 =	vld [tilespmem:s1+$0x10060]  }
0x4d: {  	v14 =	vld [tilespmem:s1+$0x100E0]  }
0x4e: {  	[tilespmem:s1+$0xF0] =	vst.add.f32.msk $0xffff, v0  }
0x4f: {  	v0 =	vld [tilespmem:s1+$0x10070]  }
0x50: {  	[tilespmem:s1+$0x0] =	vst.add.f32.msk $0xffff, v1  }
0x51: {  	[tilespmem:s1+$0x80] =	vst.add.f32.msk $0xffff, v2  }
0x52: {  	[tilespmem:s1+$0x10] =	vst.add.f32.msk $0xffff, v3  }
0x53: {  	[tilespmem:s1+$0x90] =	vst.add.f32.msk $0xffff, v4  }
0x54: {  	[tilespmem:s1+$0x20] =	vst.add.f32.msk $0xffff, v5  }
0x55: {  	[tilespmem:s1+$0xA0] =	vst.add.f32.msk $0xffff, v6  }
0x56: {  	[tilespmem:s1+$0x30] =	vst.add.f32.msk $0xffff, v7  }
0x57: {  	[tilespmem:s1+$0xB0] =	vst.add.f32.msk $0xffff, v8  }
0x58: {  	[tilespmem:s1+$0x40] =	vst.add.f32.msk $0xffff, v9  }
0x59: {  	[tilespmem:s1+$0xC0] =	vst.add.f32.msk $0xffff, v10  }
0x5a: {  	[tilespmem:s1+$0x50] =	vst.add.f32.msk $0xffff, v11  }
0x5b: {  	[tilespmem:s1+$0xD0] =	vst.add.f32.msk $0xffff, v12  }
0x5c: {  	[tilespmem:s1+$0x60] =	vst.add.f32.msk $0xffff, v13  }
0x5d: {  	s9 =	simm.s32 $0x0;
	s11 =	simm.s32 $0x400;
	[tilespmem:s1+$0xE0] =	vst.add.f32.msk $0xffff, v14  }
.LBB2_3:
0x5e: {  	s9 =	sadd.s32 $0x8, s9;
	[tilespmem:s1+$0x70] =	vst.add.f32.msk $0xffff, v0;
	s1 =	sshra.s32 s11, $0x2  }
0x5f: {  	v0 =	vld [tilespmem:s1+$0x100F0];
	p0 =	slt.u32 s9, $0xF8  }
0x60: {  	v1 =	vld [tilespmem:s1+$0x10000]  }
0x61: {  	v2 =	vld [tilespmem:s1+$0x10080]  }
0x62: {  	v3 =	vld [tilespmem:s1+$0x10010]  }
0x63: {  	v4 =	vld [tilespmem:s1+$0x10090]  }
0x64: {  	[tilespmem:s1+$0xF0] =	vst.add.f32.msk $0xffff, v0  }
0x65: {  	v5 =	vld [tilespmem:s1+$0x10020]  }
0x66: {  	v6 =	vld [tilespmem:s1+$0x100A0]  }
0x67: {  	v7 =	vld [tilespmem:s1+$0x10030]  }
0x68: {  	v8 =	vld [tilespmem:s1+$0x100B0]  }
0x69: {  	v9 =	vld [tilespmem:s1+$0x10040]  }
0x6a: {  	v10 =	vld [tilespmem:s1+$0x100C0]  }
0x6b: {  	v11 =	vld [tilespmem:s1+$0x10050]  }
0x6c: {  	v12 =	vld [tilespmem:s1+$0x100D0]  }
0x6d: {  	v13 =	vld [tilespmem:s1+$0x10060]  }
0x6e: {  	v14 =	vld [tilespmem:s1+$0x100E0]  }
0x6f: {  	v0 =	vld [tilespmem:s1+$0x10070]  }
0x70: {  	[tilespmem:s1+$0x0] =	vst.add.f32.msk $0xffff, v1  }
0x71: {  	[tilespmem:s1+$0x80] =	vst.add.f32.msk $0xffff, v2  }
0x72: {  	[tilespmem:s1+$0x10] =	vst.add.f32.msk $0xffff, v3  }
0x73: {  	[tilespmem:s1+$0x90] =	vst.add.f32.msk $0xffff, v4  }
0x74: {  	[tilespmem:s1+$0x20] =	vst.add.f32.msk $0xffff, v5  }
0x75: {  	[tilespmem:s1+$0xA0] =	vst.add.f32.msk $0xffff, v6  }
0x76: {  	[tilespmem:s1+$0x30] =	vst.add.f32.msk $0xffff, v7  }
0x77: {  	[tilespmem:s1+$0xB0] =	vst.add.f32.msk $0xffff, v8  }
0x78: {  	[tilespmem:s1+$0x40] =	vst.add.f32.msk $0xffff, v9  }
.Ltmp2:
0x79: {  	[tilespmem:s1+$0xC0] =	vst.add.f32.msk $0xffff, v10;
	(pc) =	sbr.rel @p0 .LBB2_3-.Ltmp2, $4  }
0x7a: {  	[tilespmem:s1+$0x50] =	vst.add.f32.msk $0xffff, v11  }
0x7b: {  	[tilespmem:s1+$0xD0] =	vst.add.f32.msk $0xffff, v12  }
0x7c: {  	[tilespmem:s1+$0x60] =	vst.add.f32.msk $0xffff, v13  }
0x7d: {  	s11 =	sadd.s32 $0x400, s11;
	[tilespmem:s1+$0xE0] =	vst.add.f32.msk $0xffff, v14  }
0x7e: {  	s12 =	sshll.u32 s6, $0x2;
	s0 =	rddreg [dreg:$0x4]  }
0x7f: {  	s11 =	sshll.u32 s6, $0x6;
	s9 =	sadd.s32 s0, s12  }
0x80: {  	s11 =	sand.u32 $0x40, s11;
	s9 =	sshll.u32 s9, $0x9  }
0x81: {  	p0 =	seq.s32 s6, $0x0;
	s31 =	sadd.s32 s4, s11;
	s9 =	sand.u32 $0x1FF000, s9  }
0x82: {  	[tilespmem:s1+$0x70] =	vst.add.f32.msk $0xffff, v0;
	s14 =	simm.s32 $0x0;
	s1 =	simm.s32 @!p0 $0xD;
	s13 =	sadd.s32 s9, s31  }
0x83: {  	[hbm4b:s13+s21] =	stream.strided.scatter [tilespmem:s14], [sflag:$0x9], $0x2000, s22, s21, $0x38;
	[tilespmem:$0x14000] =	vst v63  }
0x84: {  	s28 =	sor.u32 $0x20, s11;
	_ =	swait.ge @!p0 [sflag:s1], $0x2000  }
0x85: {  	s13 =	sor.u32 s28, s9;
	[sflag:s1] =	ssyncset.done @!p0 $0x0  }
0x86: {  	s16 =	sadd.s32 s2, s13;
	[sflag:s1] =	ssyncadd.s32 @!p0 $0xFFFFE000  }
0x87: {  	[tilespmem:s29], [sflag:$0x5] =	stream.strided.gather [hbm4b:s16+s21], $0x2000, s22, s21, $0x38;
	[tilespmem:$0x14000] =	vst v63  }
0x88: {  	s29 =	simm.s32 $0x2  }
0x89: {  	_ =	swait.ge [sflag:s29], $0x2000  }
0x8a: {  	[sflag:s29] =	ssyncset.done $0x0  }
0x8b: {  	s1 =	simm.s32 $0x0;
	[sflag:s29] =	ssyncadd.s32 $0xFFFFE000  }
0x8c: {  	v0 =	vld [tilespmem:s1+$0x100F0]  }
0x8d: {  	v1 =	vld [tilespmem:s1+$0x10000]  }
0x8e: {  	v2 =	vld [tilespmem:s1+$0x10080]  }
0x8f: {  	v3 =	vld [tilespmem:s1+$0x10010]  }
0x90: {  	v4 =	vld [tilespmem:s1+$0x10090]  }
0x91: {  	v5 =	vld [tilespmem:s1+$0x10020]  }
0x92: {  	v6 =	vld [tilespmem:s1+$0x100A0]  }
0x93: {  	v7 =	vld [tilespmem:s1+$0x10030]  }
0x94: {  	v8 =	vld [tilespmem:s1+$0x100B0]  }
0x95: {  	v9 =	vld [tilespmem:s1+$0x10040]  }
0x96: {  	v10 =	vld [tilespmem:s1+$0x100C0]  }
0x97: {  	v11 =	vld [tilespmem:s1+$0x10050]  }
0x98: {  	v12 =	vld [tilespmem:s1+$0x100D0]  }
0x99: {  	v13 =	vld [tilespmem:s1+$0x10060]  }
0x9a: {  	v14 =	vld [tilespmem:s1+$0x100E0]  }
0x9b: {  	[tilespmem:s1+$0x20F0] =	vst.add.f32.msk $0xffff, v0  }
0x9c: {  	v0 =	vld [tilespmem:s1+$0x10070]  }
0x9d: {  	[tilespmem:s1+$0x2000] =	vst.add.f32.msk $0xffff, v1  }
0x9e: {  	[tilespmem:s1+$0x2080] =	vst.add.f32.msk $0xffff, v2  }
0x9f: {  	[tilespmem:s1+$0x2010] =	vst.add.f32.msk $0xffff, v3  }
0xa0: {  	[tilespmem:s1+$0x2090] =	vst.add.f32.msk $0xffff, v4  }
0xa1: {  	[tilespmem:s1+$0x2020] =	vst.add.f32.msk $0xffff, v5  }
0xa2: {  	[tilespmem:s1+$0x20A0] =	vst.add.f32.msk $0xffff, v6  }
0xa3: {  	[tilespmem:s1+$0x2030] =	vst.add.f32.msk $0xffff, v7  }
0xa4: {  	[tilespmem:s1+$0x20B0] =	vst.add.f32.msk $0xffff, v8  }
0xa5: {  	[tilespmem:s1+$0x2040] =	vst.add.f32.msk $0xffff, v9  }
0xa6: {  	[tilespmem:s1+$0x20C0] =	vst.add.f32.msk $0xffff, v10  }
0xa7: {  	[tilespmem:s1+$0x2050] =	vst.add.f32.msk $0xffff, v11  }
0xa8: {  	[tilespmem:s1+$0x20D0] =	vst.add.f32.msk $0xffff, v12  }
0xa9: {  	[tilespmem:s1+$0x2060] =	vst.add.f32.msk $0xffff, v13  }
0xaa: {  	s11 =	simm.s32 $0x400;
	s9 =	simm.s32 $0x0;
	[tilespmem:s1+$0x20E0] =	vst.add.f32.msk $0xffff, v14  }
.LBB2_5:
0xab: {  	s9 =	sadd.s32 $0x8, s9;
	[tilespmem:s1+$0x2070] =	vst.add.f32.msk $0xffff, v0;
	s1 =	sshra.s32 s11, $0x2  }
0xac: {  	v0 =	vld [tilespmem:s1+$0x100F0];
	p1 =	slt.u32 s9, $0xF8  }
0xad: {  	v1 =	vld [tilespmem:s1+$0x10000]  }
0xae: {  	v2 =	vld [tilespmem:s1+$0x10080]  }
0xaf: {  	v3 =	vld [tilespmem:s1+$0x10010]  }
0xb0: {  	v4 =	vld [tilespmem:s1+$0x10090]  }
0xb1: {  	[tilespmem:s1+$0x20F0] =	vst.add.f32.msk $0xffff, v0  }
0xb2: {  	v5 =	vld [tilespmem:s1+$0x10020]  }
0xb3: {  	v6 =	vld [tilespmem:s1+$0x100A0]  }
0xb4: {  	v7 =	vld [tilespmem:s1+$0x10030]  }
0xb5: {  	v8 =	vld [tilespmem:s1+$0x100B0]  }
0xb6: {  	v9 =	vld [tilespmem:s1+$0x10040]  }
0xb7: {  	v10 =	vld [tilespmem:s1+$0x100C0]  }
0xb8: {  	v11 =	vld [tilespmem:s1+$0x10050]  }
0xb9: {  	v12 =	vld [tilespmem:s1+$0x100D0]  }
0xba: {  	v13 =	vld [tilespmem:s1+$0x10060]  }
0xbb: {  	v14 =	vld [tilespmem:s1+$0x100E0]  }
0xbc: {  	v0 =	vld [tilespmem:s1+$0x10070]  }
0xbd: {  	[tilespmem:s1+$0x2000] =	vst.add.f32.msk $0xffff, v1  }
0xbe: {  	[tilespmem:s1+$0x2080] =	vst.add.f32.msk $0xffff, v2  }
0xbf: {  	[tilespmem:s1+$0x2010] =	vst.add.f32.msk $0xffff, v3  }
0xc0: {  	[tilespmem:s1+$0x2090] =	vst.add.f32.msk $0xffff, v4  }
0xc1: {  	[tilespmem:s1+$0x2020] =	vst.add.f32.msk $0xffff, v5  }
0xc2: {  	[tilespmem:s1+$0x20A0] =	vst.add.f32.msk $0xffff, v6  }
0xc3: {  	[tilespmem:s1+$0x2030] =	vst.add.f32.msk $0xffff, v7  }
0xc4: {  	[tilespmem:s1+$0x20B0] =	vst.add.f32.msk $0xffff, v8  }
0xc5: {  	[tilespmem:s1+$0x2040] =	vst.add.f32.msk $0xffff, v9  }
.Ltmp3:
0xc6: {  	[tilespmem:s1+$0x20C0] =	vst.add.f32.msk $0xffff, v10;
	(pc) =	sbr.rel @p1 .LBB2_5-.Ltmp3, $4  }
0xc7: {  	[tilespmem:s1+$0x2050] =	vst.add.f32.msk $0xffff, v11  }
0xc8: {  	[tilespmem:s1+$0x20D0] =	vst.add.f32.msk $0xffff, v12  }
0xc9: {  	[tilespmem:s1+$0x2060] =	vst.add.f32.msk $0xffff, v13  }
0xca: {  	s11 =	sadd.s32 $0x400, s11;
	[tilespmem:s1+$0x20E0] =	vst.add.f32.msk $0xffff, v14  }
0xcb: {  	s0 =	rddreg [dreg:$0x8]  }
0xcc: {  	s9 =	sadd.s32 s0, s12  }
0xcd: {  	s9 =	sshll.u32 s9, $0x9  }
0xce: {  	s9 =	sand.u32 $0xFFFF000, s9  }
0xcf: {  	[tilespmem:s1+$0x2070] =	vst.add.f32.msk $0xffff, v0;
	s16 =	simm.s32 $0x2000;
	s1 =	simm.s32 @!p0 $0xE;
	s14 =	sadd.s32 s9, s31  }
0xd0: {  	[hbm4b:s14+s21] =	stream.strided.scatter [tilespmem:s16], [sflag:$0xA], $0x2000, s22, s21, $0x38;
	[tilespmem:$0x14000] =	vst v63  }
0xd1: {  	_ =	swait.ge @!p0 [sflag:s1], $0x2000  }
0xd2: {  	s14 =	sor.u32 s28, s9;
	[sflag:s1] =	ssyncset.done @!p0 $0x0  }
0xd3: {  	s29 =	sadd.s32 s2, s14;
	[sflag:s1] =	ssyncadd.s32 @!p0 $0xFFFFE000  }
0xd4: {  	[tilespmem:s15], [sflag:$0x6] =	stream.strided.gather [hbm4b:s29+s21], $0x2000, s22, s21, $0x38;
	[tilespmem:$0x14000] =	vst v63  }
0xd5: {  	_ =	swait.ge [sflag:s23], $0x2000  }
0xd6: {  	[sflag:s23] =	ssyncset.done $0x0  }
0xd7: {  	s1 =	simm.s32 $0x0;
	[sflag:s23] =	ssyncadd.s32 $0xFFFFE000  }
0xd8: {  	v0 =	vld [tilespmem:s1+$0x100F0]  }
0xd9: {  	v1 =	vld [tilespmem:s1+$0x10000]  }
0xda: {  	v2 =	vld [tilespmem:s1+$0x10080]  }
0xdb: {  	v3 =	vld [tilespmem:s1+$0x10010]  }
0xdc: {  	v4 =	vld [tilespmem:s1+$0x10090]  }
0xdd: {  	v5 =	vld [tilespmem:s1+$0x10020]  }
0xde: {  	v6 =	vld [tilespmem:s1+$0x100A0]  }
0xdf: {  	v7 =	vld [tilespmem:s1+$0x10030]  }
0xe0: {  	v8 =	vld [tilespmem:s1+$0x100B0]  }
0xe1: {  	v9 =	vld [tilespmem:s1+$0x10040]  }
0xe2: {  	v10 =	vld [tilespmem:s1+$0x100C0]  }
0xe3: {  	v11 =	vld [tilespmem:s1+$0x10050]  }
0xe4: {  	v12 =	vld [tilespmem:s1+$0x100D0]  }
0xe5: {  	v13 =	vld [tilespmem:s1+$0x10060]  }
0xe6: {  	v14 =	vld [tilespmem:s1+$0x100E0]  }
0xe7: {  	[tilespmem:s1+$0x40F0] =	vst.add.f32.msk $0xffff, v0  }
0xe8: {  	v0 =	vld [tilespmem:s1+$0x10070]  }
0xe9: {  	[tilespmem:s1+$0x4000] =	vst.add.f32.msk $0xffff, v1  }
0xea: {  	[tilespmem:s1+$0x4080] =	vst.add.f32.msk $0xffff, v2  }
0xeb: {  	[tilespmem:s1+$0x4010] =	vst.add.f32.msk $0xffff, v3  }
0xec: {  	[tilespmem:s1+$0x4090] =	vst.add.f32.msk $0xffff, v4  }
0xed: {  	[tilespmem:s1+$0x4020] =	vst.add.f32.msk $0xffff, v5  }
0xee: {  	[tilespmem:s1+$0x40A0] =	vst.add.f32.msk $0xffff, v6  }
0xef: {  	[tilespmem:s1+$0x4030] =	vst.add.f32.msk $0xffff, v7  }
0xf0: {  	[tilespmem:s1+$0x40B0] =	vst.add.f32.msk $0xffff, v8  }
0xf1: {  	[tilespmem:s1+$0x4040] =	vst.add.f32.msk $0xffff, v9  }
0xf2: {  	[tilespmem:s1+$0x40C0] =	vst.add.f32.msk $0xffff, v10  }
0xf3: {  	[tilespmem:s1+$0x4050] =	vst.add.f32.msk $0xffff, v11  }
0xf4: {  	[tilespmem:s1+$0x40D0] =	vst.add.f32.msk $0xffff, v12  }
0xf5: {  	[tilespmem:s1+$0x4060] =	vst.add.f32.msk $0xffff, v13  }
0xf6: {  	s11 =	sshll.u32 s6, $0x1;
	s9 =	simm.s32 $0x0;
	s15 =	simm.s32 $0x400;
	[tilespmem:s1+$0x40E0] =	vst.add.f32.msk $0xffff, v14  }
.LBB2_7:
0xf7: {  	s9 =	sadd.s32 $0x8, s9;
	[tilespmem:s1+$0x4070] =	vst.add.f32.msk $0xffff, v0;
	s1 =	sshra.s32 s15, $0x2  }
0xf8: {  	v0 =	vld [tilespmem:s1+$0x100F0];
	p1 =	slt.u32 s9, $0xF8  }
0xf9: {  	v1 =	vld [tilespmem:s1+$0x10000]  }
0xfa: {  	v2 =	vld [tilespmem:s1+$0x10080]  }
0xfb: {  	v3 =	vld [tilespmem:s1+$0x10010]  }
0xfc: {  	v4 =	vld [tilespmem:s1+$0x10090]  }
0xfd: {  	[tilespmem:s1+$0x40F0] =	vst.add.f32.msk $0xffff, v0  }
0xfe: {  	v5 =	vld [tilespmem:s1+$0x10020]  }
0xff: {  	v6 =	vld [tilespmem:s1+$0x100A0]  }
0x100: {  	v7 =	vld [tilespmem:s1+$0x10030]  }
0x101: {  	v8 =	vld [tilespmem:s1+$0x100B0]  }
0x102: {  	v9 =	vld [tilespmem:s1+$0x10040]  }
0x103: {  	v10 =	vld [tilespmem:s1+$0x100C0]  }
0x104: {  	v11 =	vld [tilespmem:s1+$0x10050]  }
0x105: {  	v12 =	vld [tilespmem:s1+$0x100D0]  }
0x106: {  	v13 =	vld [tilespmem:s1+$0x10060]  }
0x107: {  	v14 =	vld [tilespmem:s1+$0x100E0]  }
0x108: {  	v0 =	vld [tilespmem:s1+$0x10070]  }
0x109: {  	[tilespmem:s1+$0x4000] =	vst.add.f32.msk $0xffff, v1  }
0x10a: {  	[tilespmem:s1+$0x4080] =	vst.add.f32.msk $0xffff, v2  }
0x10b: {  	[tilespmem:s1+$0x4010] =	vst.add.f32.msk $0xffff, v3  }
0x10c: {  	[tilespmem:s1+$0x4090] =	vst.add.f32.msk $0xffff, v4  }
0x10d: {  	[tilespmem:s1+$0x4020] =	vst.add.f32.msk $0xffff, v5  }
0x10e: {  	[tilespmem:s1+$0x40A0] =	vst.add.f32.msk $0xffff, v6  }
0x10f: {  	[tilespmem:s1+$0x4030] =	vst.add.f32.msk $0xffff, v7  }
0x110: {  	[tilespmem:s1+$0x40B0] =	vst.add.f32.msk $0xffff, v8  }
0x111: {  	[tilespmem:s1+$0x4040] =	vst.add.f32.msk $0xffff, v9  }
.Ltmp4:
0x112: {  	[tilespmem:s1+$0x40C0] =	vst.add.f32.msk $0xffff, v10;
	(pc) =	sbr.rel @p1 .LBB2_7-.Ltmp4, $4  }
0x113: {  	[tilespmem:s1+$0x4050] =	vst.add.f32.msk $0xffff, v11  }
0x114: {  	[tilespmem:s1+$0x40D0] =	vst.add.f32.msk $0xffff, v12  }
0x115: {  	[tilespmem:s1+$0x4060] =	vst.add.f32.msk $0xffff, v13  }
0x116: {  	s15 =	sadd.s32 $0x400, s15;
	[tilespmem:s1+$0x40E0] =	vst.add.f32.msk $0xffff, v14  }
0x117: {  	s0 =	rddreg [dreg:$0xa]  }
0x118: {  	s9 =	sadd.s32 s0, s12  }
0x119: {  	s9 =	sshll.u32 s9, $0x9  }
0x11a: {  	s9 =	sand.u32 $0xFFFF000, s9  }
0x11b: {  	[tilespmem:s1+$0x4070] =	vst.add.f32.msk $0xffff, v0;
	s16 =	simm.s32 $0x4000;
	s1 =	simm.s32 @!p0 $0xF;
	s15 =	sadd.s32 s9, s31  }
0x11c: {  	[hbm4b:s15+s21] =	stream.strided.scatter [tilespmem:s16], [sflag:$0xB], $0x2000, s22, s21, $0x38;
	[tilespmem:$0x14000] =	vst v63  }
0x11d: {  	_ =	swait.ge @!p0 [sflag:s1], $0x2000  }
0x11e: {  	s16 =	sor.u32 s28, s9;
	[sflag:s1] =	ssyncset.done @!p0 $0x0  }
0x11f: {  	s29 =	sadd.s32 s2, s16;
	[sflag:s1] =	ssyncadd.s32 @!p0 $0xFFFFE000  }
0x120: {  	[tilespmem:s30], [sflag:$0x7] =	stream.strided.gather [hbm4b:s29+s21], $0x2000, s22, s21, $0x38;
	[tilespmem:$0x14000] =	vst v63  }
0x121: {  	_ =	swait.ge [sflag:s10], $0x2000  }
0x122: {  	[sflag:s10] =	ssyncset.done $0x0  }
0x123: {  	s1 =	simm.s32 $0x0;
	[sflag:s10] =	ssyncadd.s32 $0xFFFFE000  }
0x124: {  	v0 =	vld [tilespmem:s1+$0x100F0]  }
0x125: {  	v1 =	vld [tilespmem:s1+$0x10000]  }
0x126: {  	v2 =	vld [tilespmem:s1+$0x10080]  }
0x127: {  	v3 =	vld [tilespmem:s1+$0x10010]  }
0x128: {  	v4 =	vld [tilespmem:s1+$0x10090]  }
0x129: {  	v5 =	vld [tilespmem:s1+$0x10020]  }
0x12a: {  	v6 =	vld [tilespmem:s1+$0x100A0]  }
0x12b: {  	v7 =	vld [tilespmem:s1+$0x10030]  }
0x12c: {  	v8 =	vld [tilespmem:s1+$0x100B0]  }
0x12d: {  	v9 =	vld [tilespmem:s1+$0x10040]  }
0x12e: {  	v10 =	vld [tilespmem:s1+$0x100C0]  }
0x12f: {  	v11 =	vld [tilespmem:s1+$0x10050]  }
0x130: {  	v12 =	vld [tilespmem:s1+$0x100D0]  }
0x131: {  	v13 =	vld [tilespmem:s1+$0x10060]  }
0x132: {  	v14 =	vld [tilespmem:s1+$0x100E0]  }
0x133: {  	[tilespmem:s1+$0x60F0] =	vst.add.f32.msk $0xffff, v0  }
0x134: {  	v0 =	vld [tilespmem:s1+$0x10070]  }
0x135: {  	[tilespmem:s1+$0x6000] =	vst.add.f32.msk $0xffff, v1  }
0x136: {  	[tilespmem:s1+$0x6080] =	vst.add.f32.msk $0xffff, v2  }
0x137: {  	[tilespmem:s1+$0x6010] =	vst.add.f32.msk $0xffff, v3  }
0x138: {  	[tilespmem:s1+$0x6090] =	vst.add.f32.msk $0xffff, v4  }
0x139: {  	[tilespmem:s1+$0x6020] =	vst.add.f32.msk $0xffff, v5  }
0x13a: {  	[tilespmem:s1+$0x60A0] =	vst.add.f32.msk $0xffff, v6  }
0x13b: {  	[tilespmem:s1+$0x6030] =	vst.add.f32.msk $0xffff, v7  }
0x13c: {  	[tilespmem:s1+$0x60B0] =	vst.add.f32.msk $0xffff, v8  }
0x13d: {  	[tilespmem:s1+$0x6040] =	vst.add.f32.msk $0xffff, v9  }
0x13e: {  	[tilespmem:s1+$0x60C0] =	vst.add.f32.msk $0xffff, v10  }
0x13f: {  	[tilespmem:s1+$0x6050] =	vst.add.f32.msk $0xffff, v11  }
0x140: {  	[tilespmem:s1+$0x60D0] =	vst.add.f32.msk $0xffff, v12  }
0x141: {  	[tilespmem:s1+$0x6060] =	vst.add.f32.msk $0xffff, v13  }
0x142: {  	s9 =	simm.s32 $0x0;
	s15 =	simm.s32 $0x400;
	[tilespmem:s1+$0x60E0] =	vst.add.f32.msk $0xffff, v14  }
.LBB2_9:
0x143: {  	s9 =	sadd.s32 $0x8, s9;
	[tilespmem:s1+$0x6070] =	vst.add.f32.msk $0xffff, v0;
	s1 =	sshra.s32 s15, $0x2  }
0x144: {  	v0 =	vld [tilespmem:s1+$0x100F0];
	p0 =	slt.u32 s9, $0xF8  }
0x145: {  	v1 =	vld [tilespmem:s1+$0x10000]  }
0x146: {  	v2 =	vld [tilespmem:s1+$0x10080]  }
0x147: {  	v3 =	vld [tilespmem:s1+$0x10010]  }
0x148: {  	v4 =	vld [tilespmem:s1+$0x10090]  }
0x149: {  	[tilespmem:s1+$0x60F0] =	vst.add.f32.msk $0xffff, v0  }
0x14a: {  	v5 =	vld [tilespmem:s1+$0x10020]  }
0x14b: {  	v6 =	vld [tilespmem:s1+$0x100A0]  }
0x14c: {  	v7 =	vld [tilespmem:s1+$0x10030]  }
0x14d: {  	v8 =	vld [tilespmem:s1+$0x100B0]  }
0x14e: {  	v9 =	vld [tilespmem:s1+$0x10040]  }
0x14f: {  	v10 =	vld [tilespmem:s1+$0x100C0]  }
0x150: {  	v11 =	vld [tilespmem:s1+$0x10050]  }
0x151: {  	v12 =	vld [tilespmem:s1+$0x100D0]  }
0x152: {  	v13 =	vld [tilespmem:s1+$0x10060]  }
0x153: {  	v14 =	vld [tilespmem:s1+$0x100E0]  }
0x154: {  	v0 =	vld [tilespmem:s1+$0x10070]  }
0x155: {  	[tilespmem:s1+$0x6000] =	vst.add.f32.msk $0xffff, v1  }
0x156: {  	[tilespmem:s1+$0x6080] =	vst.add.f32.msk $0xffff, v2  }
0x157: {  	[tilespmem:s1+$0x6010] =	vst.add.f32.msk $0xffff, v3  }
0x158: {  	[tilespmem:s1+$0x6090] =	vst.add.f32.msk $0xffff, v4  }
0x159: {  	[tilespmem:s1+$0x6020] =	vst.add.f32.msk $0xffff, v5  }
0x15a: {  	[tilespmem:s1+$0x60A0] =	vst.add.f32.msk $0xffff, v6  }
0x15b: {  	[tilespmem:s1+$0x6030] =	vst.add.f32.msk $0xffff, v7  }
0x15c: {  	[tilespmem:s1+$0x60B0] =	vst.add.f32.msk $0xffff, v8  }
0x15d: {  	[tilespmem:s1+$0x6040] =	vst.add.f32.msk $0xffff, v9  }
.Ltmp5:
0x15e: {  	[tilespmem:s1+$0x60C0] =	vst.add.f32.msk $0xffff, v10;
	(pc) =	sbr.rel @p0 .LBB2_9-.Ltmp5, $4  }
0x15f: {  	[tilespmem:s1+$0x6050] =	vst.add.f32.msk $0xffff, v11  }
0x160: {  	[tilespmem:s1+$0x60D0] =	vst.add.f32.msk $0xffff, v12  }
0x161: {  	[tilespmem:s1+$0x6060] =	vst.add.f32.msk $0xffff, v13  }
0x162: {  	s15 =	sadd.s32 $0x400, s15;
	[tilespmem:s1+$0x60E0] =	vst.add.f32.msk $0xffff, v14  }
0x163: {  	s0 =	rddreg [dreg:$0xb]  }
0x164: {  	s9 =	sadd.s32 s0, s12  }
0x165: {  	s9 =	sshll.u32 s9, $0x9  }
0x166: {  	s9 =	sand.u32 $0xFFFF000, s9  }
0x167: {  	[tilespmem:s1+$0x6070] =	vst.add.f32.msk $0xffff, v0;
	s12 =	sadd.s32 s9, s31  }
0x168: {  	[hbm4b:s12+s21] =	stream.strided.scatter [tilespmem:s17], [sflag:$0xC], $0x2000, s22, s21, $0x38;
	[tilespmem:$0x14000] =	vst v63  }
0x169: {  	p0 =	seq.s32 s6, $0x1F;
	s0 =	rddreg [dreg:$0x1];
	s12 =	sadd.s32 $0x2, s11  }
0x16a: {  	p1 =	seq.s32 @!p0 s6, $0x0;
	s31 =	sshll.u32 @!p0 s12, $0xA;
	s1 =	sshll.u32 @!p0 s12, $0x5  }
0x16b: {  	s29 =	simm.s32 @!p0 $0x100;
	s15 =	sadd.s32 @!p0 s7, s31;
	s1 =	sand.u32 @!p0 $0x40, s1  }
0x16c: {  	s30 =	simm.s32 @!p0 $0x400;
	s17 =	sand.u32 @!p0 $0x3FF000, s15;
	s15 =	sadd.s32 @!p0 s0, s1  }
0x16d: {  	p1 =	por p0, !p1;
	s0 =	simm.s32 @!p0 $0x10000;
	s15 =	sadd.s32 @!p0 s17, s15  }
0x16e: {  	[tilespmem:s0], [sflag:$0x11] =	stream.strided.gather @!p0 [hbm4b:s15+s29], $0x2000, s30, s29, $0x38;
	[tilespmem:$0x14000] =	vst v63  }
0x16f: {  	s0 =	simm.s32 @p1 $0x10  }
0x170: {  	_ =	swait.ge @p1 [sflag:s0], $0x2000  }
0x171: {  	s28 =	sor.u32 s28, s9;
	[sflag:s0] =	ssyncset.done @p1 $0x0  }
0x172: {  	s15 =	sadd.s32 s2, s28;
	s30 =	simm.s32 $0xE000;
	[sflag:s0] =	ssyncadd.s32 @p1 $0xFFFFE000  }
0x173: {  	[tilespmem:s30], [sflag:$0x8] =	stream.strided.gather [hbm4b:s15+s21], $0x2000, s22, s21, $0x38;
	[tilespmem:$0x14000] =	vst v63  }
0x174: {  	_ =	swait.ge [sflag:s18], $0x2000  }
0x175: {  	[sflag:s18] =	ssyncset.done $0x0  }
0x176: {  	[sflag:s18] =	ssyncadd.s32 $0xFFFFE000  }
0x177: {  	_ =	swait.ge [sflag:s19], $0x2000  }
0x178: {  	[sflag:s19] =	ssyncset.done $0x0  }
0x179: {  	s9 =	simm.s32 $0x0;
	[sflag:s19] =	ssyncadd.s32 $0xFFFFE000  }
0x17a: {  	v0 =	vld [tilespmem:s9+$0x120F0]  }
0x17b: {  	v1 =	vld [tilespmem:s9+$0x12000]  }
0x17c: {  	v2 =	vld [tilespmem:s9+$0x12080]  }
0x17d: {  	v3 =	vld [tilespmem:s9+$0x12010]  }
0x17e: {  	v4 =	vld [tilespmem:s9+$0x12090]  }
0x17f: {  	v5 =	vld [tilespmem:s9+$0x12020]  }
0x180: {  	v6 =	vld [tilespmem:s9+$0x120A0]  }
0x181: {  	v7 =	vld [tilespmem:s9+$0x12030]  }
0x182: {  	v8 =	vld [tilespmem:s9+$0x120B0]  }
0x183: {  	v9 =	vld [tilespmem:s9+$0x12040]  }
0x184: {  	v10 =	vld [tilespmem:s9+$0x120C0]  }
0x185: {  	v11 =	vld [tilespmem:s9+$0x12050]  }
0x186: {  	v12 =	vld [tilespmem:s9+$0x120D0]  }
0x187: {  	v13 =	vld [tilespmem:s9+$0x12060]  }
0x188: {  	v14 =	vld [tilespmem:s9+$0x120E0]  }
0x189: {  	[tilespmem:s9+$0x80F0] =	vst.add.f32.msk $0xffff, v0  }
0x18a: {  	v0 =	vld [tilespmem:s9+$0x12070]  }
0x18b: {  	[tilespmem:s9+$0x8000] =	vst.add.f32.msk $0xffff, v1  }
0x18c: {  	[tilespmem:s9+$0x8080] =	vst.add.f32.msk $0xffff, v2  }
0x18d: {  	[tilespmem:s9+$0x8010] =	vst.add.f32.msk $0xffff, v3  }
0x18e: {  	[tilespmem:s9+$0x8090] =	vst.add.f32.msk $0xffff, v4  }
0x18f: {  	[tilespmem:s9+$0x8020] =	vst.add.f32.msk $0xffff, v5  }
0x190: {  	[tilespmem:s9+$0x80A0] =	vst.add.f32.msk $0xffff, v6  }
0x191: {  	[tilespmem:s9+$0x8030] =	vst.add.f32.msk $0xffff, v7  }
0x192: {  	[tilespmem:s9+$0x80B0] =	vst.add.f32.msk $0xffff, v8  }
0x193: {  	[tilespmem:s9+$0x8040] =	vst.add.f32.msk $0xffff, v9  }
0x194: {  	[tilespmem:s9+$0x80C0] =	vst.add.f32.msk $0xffff, v10  }
0x195: {  	[tilespmem:s9+$0x8050] =	vst.add.f32.msk $0xffff, v11  }
0x196: {  	[tilespmem:s9+$0x80D0] =	vst.add.f32.msk $0xffff, v12  }
0x197: {  	[tilespmem:s9+$0x8060] =	vst.add.f32.msk $0xffff, v13  }
0x198: {  	s29 =	simm.s32 $0x400;
	s15 =	simm.s32 $0x0;
	[tilespmem:s9+$0x80E0] =	vst.add.f32.msk $0xffff, v14  }
.LBB2_11:
0x199: {  	s15 =	sadd.s32 $0x8, s15;
	[tilespmem:s9+$0x8070] =	vst.add.f32.msk $0xffff, v0;
	s9 =	sshra.s32 s29, $0x2  }
0x19a: {  	v0 =	vld [tilespmem:s9+$0x120F0];
	p1 =	slt.u32 s15, $0xF8  }
0x19b: {  	v1 =	vld [tilespmem:s9+$0x12000]  }
0x19c: {  	v2 =	vld [tilespmem:s9+$0x12080]  }
0x19d: {  	v3 =	vld [tilespmem:s9+$0x12010]  }
0x19e: {  	v4 =	vld [tilespmem:s9+$0x12090]  }
0x19f: {  	[tilespmem:s9+$0x80F0] =	vst.add.f32.msk $0xffff, v0  }
0x1a0: {  	v5 =	vld [tilespmem:s9+$0x12020]  }
0x1a1: {  	v6 =	vld [tilespmem:s9+$0x120A0]  }
0x1a2: {  	v7 =	vld [tilespmem:s9+$0x12030]  }
0x1a3: {  	v8 =	vld [tilespmem:s9+$0x120B0]  }
0x1a4: {  	v9 =	vld [tilespmem:s9+$0x12040]  }
0x1a5: {  	v10 =	vld [tilespmem:s9+$0x120C0]  }
0x1a6: {  	v11 =	vld [tilespmem:s9+$0x12050]  }
0x1a7: {  	v12 =	vld [tilespmem:s9+$0x120D0]  }
0x1a8: {  	v13 =	vld [tilespmem:s9+$0x12060]  }
0x1a9: {  	v14 =	vld [tilespmem:s9+$0x120E0]  }
0x1aa: {  	v0 =	vld [tilespmem:s9+$0x12070]  }
0x1ab: {  	[tilespmem:s9+$0x8000] =	vst.add.f32.msk $0xffff, v1  }
0x1ac: {  	[tilespmem:s9+$0x8080] =	vst.add.f32.msk $0xffff, v2  }
0x1ad: {  	[tilespmem:s9+$0x8010] =	vst.add.f32.msk $0xffff, v3  }
0x1ae: {  	[tilespmem:s9+$0x8090] =	vst.add.f32.msk $0xffff, v4  }
0x1af: {  	[tilespmem:s9+$0x8020] =	vst.add.f32.msk $0xffff, v5  }
0x1b0: {  	[tilespmem:s9+$0x80A0] =	vst.add.f32.msk $0xffff, v6  }
0x1b1: {  	[tilespmem:s9+$0x8030] =	vst.add.f32.msk $0xffff, v7  }
0x1b2: {  	[tilespmem:s9+$0x80B0] =	vst.add.f32.msk $0xffff, v8  }
0x1b3: {  	[tilespmem:s9+$0x8040] =	vst.add.f32.msk $0xffff, v9  }
.Ltmp6:
0x1b4: {  	[tilespmem:s9+$0x80C0] =	vst.add.f32.msk $0xffff, v10;
	(pc) =	sbr.rel @p1 .LBB2_11-.Ltmp6, $4  }
0x1b5: {  	[tilespmem:s9+$0x8050] =	vst.add.f32.msk $0xffff, v11  }
0x1b6: {  	[tilespmem:s9+$0x80D0] =	vst.add.f32.msk $0xffff, v12  }
0x1b7: {  	[tilespmem:s9+$0x8060] =	vst.add.f32.msk $0xffff, v13  }
0x1b8: {  	s29 =	sadd.s32 $0x400, s29;
	[tilespmem:s9+$0x80E0] =	vst.add.f32.msk $0xffff, v14  }
0x1b9: {  	[tilespmem:s9+$0x8070] =	vst.add.f32.msk $0xffff, v0;
	s0 =	sadd.s32 s4, s13;
	s29 =	simm.s32 $0x8000  }
0x1ba: {  	[hbm4b:s0+s21] =	stream.strided.scatter [tilespmem:s29], [sflag:$0xD], $0x2000, s22, s21, $0x38;
	[tilespmem:$0x14000] =	vst v63  }
0x1bb: {  	s13 =	sadd.s32 @!p0 s2, s1;
	_ =	swait.ge [sflag:s20], $0x2000  }
0x1bc: {  	s1 =	simm.s32 @!p0 $0x100;
	s9 =	simm.s32 @!p0 $0x400;
	[sflag:s20] =	ssyncset.done $0x0  }
0x1bd: {  	s15 =	simm.s32 @!p0 $0x0;
	s0 =	sadd.s32 @!p0 s17, s13;
	[sflag:s20] =	ssyncadd.s32 $0xFFFFE000  }
0x1be: {  	[tilespmem:s15], [sflag:$0x1] =	stream.strided.gather @!p0 [hbm4b:s0+s1], $0x2000, s9, s1, $0x38;
	[tilespmem:$0x14000] =	vst v63  }
0x1bf: {  	_ =	swait.ge [sflag:s8], $0x2000  }
0x1c0: {  	[sflag:s8] =	ssyncset.done $0x0  }
0x1c1: {  	s1 =	simm.s32 $0x0;
	[sflag:s8] =	ssyncadd.s32 $0xFFFFE000  }
0x1c2: {  	v0 =	vld [tilespmem:s1+$0x120F0]  }
0x1c3: {  	v1 =	vld [tilespmem:s1+$0x12000]  }
0x1c4: {  	v2 =	vld [tilespmem:s1+$0x12080]  }
0x1c5: {  	v3 =	vld [tilespmem:s1+$0x12010]  }
0x1c6: {  	v4 =	vld [tilespmem:s1+$0x12090]  }
0x1c7: {  	v5 =	vld [tilespmem:s1+$0x12020]  }
0x1c8: {  	v6 =	vld [tilespmem:s1+$0x120A0]  }
0x1c9: {  	v7 =	vld [tilespmem:s1+$0x12030]  }
0x1ca: {  	v8 =	vld [tilespmem:s1+$0x120B0]  }
0x1cb: {  	v9 =	vld [tilespmem:s1+$0x12040]  }
0x1cc: {  	v10 =	vld [tilespmem:s1+$0x120C0]  }
0x1cd: {  	v11 =	vld [tilespmem:s1+$0x12050]  }
0x1ce: {  	v12 =	vld [tilespmem:s1+$0x120D0]  }
0x1cf: {  	v13 =	vld [tilespmem:s1+$0x12060]  }
0x1d0: {  	v14 =	vld [tilespmem:s1+$0x120E0]  }
0x1d1: {  	[tilespmem:s1+$0xA0F0] =	vst.add.f32.msk $0xffff, v0  }
0x1d2: {  	v0 =	vld [tilespmem:s1+$0x12070]  }
0x1d3: {  	[tilespmem:s1+$0xA000] =	vst.add.f32.msk $0xffff, v1  }
0x1d4: {  	[tilespmem:s1+$0xA080] =	vst.add.f32.msk $0xffff, v2  }
0x1d5: {  	[tilespmem:s1+$0xA010] =	vst.add.f32.msk $0xffff, v3  }
0x1d6: {  	[tilespmem:s1+$0xA090] =	vst.add.f32.msk $0xffff, v4  }
0x1d7: {  	[tilespmem:s1+$0xA020] =	vst.add.f32.msk $0xffff, v5  }
0x1d8: {  	[tilespmem:s1+$0xA0A0] =	vst.add.f32.msk $0xffff, v6  }
0x1d9: {  	[tilespmem:s1+$0xA030] =	vst.add.f32.msk $0xffff, v7  }
0x1da: {  	[tilespmem:s1+$0xA0B0] =	vst.add.f32.msk $0xffff, v8  }
0x1db: {  	[tilespmem:s1+$0xA040] =	vst.add.f32.msk $0xffff, v9  }
0x1dc: {  	[tilespmem:s1+$0xA0C0] =	vst.add.f32.msk $0xffff, v10  }
0x1dd: {  	[tilespmem:s1+$0xA050] =	vst.add.f32.msk $0xffff, v11  }
0x1de: {  	[tilespmem:s1+$0xA0D0] =	vst.add.f32.msk $0xffff, v12  }
0x1df: {  	[tilespmem:s1+$0xA060] =	vst.add.f32.msk $0xffff, v13  }
0x1e0: {  	s30 =	simm.s32 $0xC000;
	s9 =	simm.s32 $0x0;
	s15 =	simm.s32 $0x400;
	[tilespmem:s1+$0xA0E0] =	vst.add.f32.msk $0xffff, v14  }
.LBB2_13:
0x1e1: {  	s9 =	sadd.s32 $0x8, s9;
	[tilespmem:s1+$0xA070] =	vst.add.f32.msk $0xffff, v0;
	s1 =	sshra.s32 s15, $0x2  }
0x1e2: {  	v0 =	vld [tilespmem:s1+$0x120F0];
	p1 =	slt.u32 s9, $0xF8  }
0x1e3: {  	v1 =	vld [tilespmem:s1+$0x12000]  }
0x1e4: {  	v2 =	vld [tilespmem:s1+$0x12080]  }
0x1e5: {  	v3 =	vld [tilespmem:s1+$0x12010]  }
0x1e6: {  	v4 =	vld [tilespmem:s1+$0x12090]  }
0x1e7: {  	[tilespmem:s1+$0xA0F0] =	vst.add.f32.msk $0xffff, v0  }
0x1e8: {  	v5 =	vld [tilespmem:s1+$0x12020]  }
0x1e9: {  	v6 =	vld [tilespmem:s1+$0x120A0]  }
0x1ea: {  	v7 =	vld [tilespmem:s1+$0x12030]  }
0x1eb: {  	v8 =	vld [tilespmem:s1+$0x120B0]  }
0x1ec: {  	v9 =	vld [tilespmem:s1+$0x12040]  }
0x1ed: {  	v10 =	vld [tilespmem:s1+$0x120C0]  }
0x1ee: {  	v11 =	vld [tilespmem:s1+$0x12050]  }
0x1ef: {  	v12 =	vld [tilespmem:s1+$0x120D0]  }
0x1f0: {  	v13 =	vld [tilespmem:s1+$0x12060]  }
0x1f1: {  	v14 =	vld [tilespmem:s1+$0x120E0]  }
0x1f2: {  	v0 =	vld [tilespmem:s1+$0x12070]  }
0x1f3: {  	[tilespmem:s1+$0xA000] =	vst.add.f32.msk $0xffff, v1  }
0x1f4: {  	[tilespmem:s1+$0xA080] =	vst.add.f32.msk $0xffff, v2  }
0x1f5: {  	[tilespmem:s1+$0xA010] =	vst.add.f32.msk $0xffff, v3  }
0x1f6: {  	[tilespmem:s1+$0xA090] =	vst.add.f32.msk $0xffff, v4  }
0x1f7: {  	[tilespmem:s1+$0xA020] =	vst.add.f32.msk $0xffff, v5  }
0x1f8: {  	[tilespmem:s1+$0xA0A0] =	vst.add.f32.msk $0xffff, v6  }
0x1f9: {  	[tilespmem:s1+$0xA030] =	vst.add.f32.msk $0xffff, v7  }
0x1fa: {  	[tilespmem:s1+$0xA0B0] =	vst.add.f32.msk $0xffff, v8  }
0x1fb: {  	[tilespmem:s1+$0xA040] =	vst.add.f32.msk $0xffff, v9  }
.Ltmp7:
0x1fc: {  	[tilespmem:s1+$0xA0C0] =	vst.add.f32.msk $0xffff, v10;
	(pc) =	sbr.rel @p1 .LBB2_13-.Ltmp7, $4  }
0x1fd: {  	[tilespmem:s1+$0xA050] =	vst.add.f32.msk $0xffff, v11  }
0x1fe: {  	[tilespmem:s1+$0xA0D0] =	vst.add.f32.msk $0xffff, v12  }
0x1ff: {  	[tilespmem:s1+$0xA060] =	vst.add.f32.msk $0xffff, v13  }
0x200: {  	s15 =	sadd.s32 $0x400, s15;
	[tilespmem:s1+$0xA0E0] =	vst.add.f32.msk $0xffff, v14  }
0x201: {  	[tilespmem:s1+$0xA070] =	vst.add.f32.msk $0xffff, v0;
	s0 =	sadd.s32 s4, s14;
	s15 =	simm.s32 $0xA000  }
0x202: {  	[hbm4b:s0+s21] =	stream.strided.scatter [tilespmem:s15], [sflag:$0xE], $0x2000, s22, s21, $0x38;
	[tilespmem:$0x14000] =	vst v63  }
0x203: {  	_ =	swait.ge [sflag:s24], $0x2000  }
0x204: {  	s0 =	rddreg [dreg:$0x9]  }
0x205: {  	s1 =	simm.s32 @!p0 $0x100;
	s0 =	sadd.s32 @!p0 s0, s31  }
0x206: {  	s9 =	simm.s32 @!p0 $0x400;
	[sflag:s24] =	ssyncset.done $0x0;
	s0 =	sand.u32 @!p0 $0xFFFF000, s0  }
0x207: {  	s14 =	simm.s32 @!p0 $0x2000;
	[sflag:s24] =	ssyncadd.s32 $0xFFFFE000;
	s0 =	sadd.s32 @!p0 s0, s13  }
0x208: {  	[tilespmem:s14], [sflag:$0x2] =	stream.strided.gather @!p0 [hbm4b:s0+s1], $0x2000, s9, s1, $0x38;
	[tilespmem:$0x14000] =	vst v63  }
0x209: {  	_ =	swait.ge [sflag:s5], $0x2000  }
0x20a: {  	[sflag:s5] =	ssyncset.done $0x0  }
0x20b: {  	s1 =	simm.s32 $0x0;
	[sflag:s5] =	ssyncadd.s32 $0xFFFFE000  }
0x20c: {  	v0 =	vld [tilespmem:s1+$0x120F0]  }
0x20d: {  	v1 =	vld [tilespmem:s1+$0x12000]  }
0x20e: {  	v2 =	vld [tilespmem:s1+$0x12080]  }
0x20f: {  	v3 =	vld [tilespmem:s1+$0x12010]  }
0x210: {  	v4 =	vld [tilespmem:s1+$0x12090]  }
0x211: {  	v5 =	vld [tilespmem:s1+$0x12020]  }
0x212: {  	v6 =	vld [tilespmem:s1+$0x120A0]  }
0x213: {  	v7 =	vld [tilespmem:s1+$0x12030]  }
0x214: {  	v8 =	vld [tilespmem:s1+$0x120B0]  }
0x215: {  	v9 =	vld [tilespmem:s1+$0x12040]  }
0x216: {  	v10 =	vld [tilespmem:s1+$0x120C0]  }
0x217: {  	v11 =	vld [tilespmem:s1+$0x12050]  }
0x218: {  	v12 =	vld [tilespmem:s1+$0x120D0]  }
0x219: {  	v13 =	vld [tilespmem:s1+$0x12060]  }
0x21a: {  	v14 =	vld [tilespmem:s1+$0x120E0]  }
0x21b: {  	[tilespmem:s1+$0xC0F0] =	vst.add.f32.msk $0xffff, v0  }
0x21c: {  	v0 =	vld [tilespmem:s1+$0x12070]  }
0x21d: {  	[tilespmem:s1+$0xC000] =	vst.add.f32.msk $0xffff, v1  }
0x21e: {  	[tilespmem:s1+$0xC080] =	vst.add.f32.msk $0xffff, v2  }
0x21f: {  	[tilespmem:s1+$0xC010] =	vst.add.f32.msk $0xffff, v3  }
0x220: {  	[tilespmem:s1+$0xC090] =	vst.add.f32.msk $0xffff, v4  }
0x221: {  	[tilespmem:s1+$0xC020] =	vst.add.f32.msk $0xffff, v5  }
0x222: {  	[tilespmem:s1+$0xC0A0] =	vst.add.f32.msk $0xffff, v6  }
0x223: {  	[tilespmem:s1+$0xC030] =	vst.add.f32.msk $0xffff, v7  }
0x224: {  	[tilespmem:s1+$0xC0B0] =	vst.add.f32.msk $0xffff, v8  }
0x225: {  	[tilespmem:s1+$0xC040] =	vst.add.f32.msk $0xffff, v9  }
0x226: {  	[tilespmem:s1+$0xC0C0] =	vst.add.f32.msk $0xffff, v10  }
0x227: {  	[tilespmem:s1+$0xC050] =	vst.add.f32.msk $0xffff, v11  }
0x228: {  	[tilespmem:s1+$0xC0D0] =	vst.add.f32.msk $0xffff, v12  }
0x229: {  	[tilespmem:s1+$0xC060] =	vst.add.f32.msk $0xffff, v13  }
0x22a: {  	s17 =	simm.s32 $0x6000;
	s9 =	simm.s32 $0x0;
	s14 =	simm.s32 $0x400;
	[tilespmem:s1+$0xC0E0] =	vst.add.f32.msk $0xffff, v14  }
.LBB2_15:
0x22b: {  	s9 =	sadd.s32 $0x8, s9;
	[tilespmem:s1+$0xC070] =	vst.add.f32.msk $0xffff, v0;
	s1 =	sshra.s32 s14, $0x2  }
0x22c: {  	v0 =	vld [tilespmem:s1+$0x120F0];
	p1 =	slt.u32 s9, $0xF8  }
0x22d: {  	v1 =	vld [tilespmem:s1+$0x12000]  }
0x22e: {  	v2 =	vld [tilespmem:s1+$0x12080]  }
0x22f: {  	v3 =	vld [tilespmem:s1+$0x12010]  }
0x230: {  	v4 =	vld [tilespmem:s1+$0x12090]  }
0x231: {  	[tilespmem:s1+$0xC0F0] =	vst.add.f32.msk $0xffff, v0  }
0x232: {  	v5 =	vld [tilespmem:s1+$0x12020]  }
0x233: {  	v6 =	vld [tilespmem:s1+$0x120A0]  }
0x234: {  	v7 =	vld [tilespmem:s1+$0x12030]  }
0x235: {  	v8 =	vld [tilespmem:s1+$0x120B0]  }
0x236: {  	v9 =	vld [tilespmem:s1+$0x12040]  }
0x237: {  	v10 =	vld [tilespmem:s1+$0x120C0]  }
0x238: {  	v11 =	vld [tilespmem:s1+$0x12050]  }
0x239: {  	v12 =	vld [tilespmem:s1+$0x120D0]  }
0x23a: {  	v13 =	vld [tilespmem:s1+$0x12060]  }
0x23b: {  	v14 =	vld [tilespmem:s1+$0x120E0]  }
0x23c: {  	v0 =	vld [tilespmem:s1+$0x12070]  }
0x23d: {  	[tilespmem:s1+$0xC000] =	vst.add.f32.msk $0xffff, v1  }
0x23e: {  	[tilespmem:s1+$0xC080] =	vst.add.f32.msk $0xffff, v2  }
0x23f: {  	[tilespmem:s1+$0xC010] =	vst.add.f32.msk $0xffff, v3  }
0x240: {  	[tilespmem:s1+$0xC090] =	vst.add.f32.msk $0xffff, v4  }
0x241: {  	[tilespmem:s1+$0xC020] =	vst.add.f32.msk $0xffff, v5  }
0x242: {  	[tilespmem:s1+$0xC0A0] =	vst.add.f32.msk $0xffff, v6  }
0x243: {  	[tilespmem:s1+$0xC030] =	vst.add.f32.msk $0xffff, v7  }
0x244: {  	[tilespmem:s1+$0xC0B0] =	vst.add.f32.msk $0xffff, v8  }
0x245: {  	[tilespmem:s1+$0xC040] =	vst.add.f32.msk $0xffff, v9  }
.Ltmp8:
0x246: {  	[tilespmem:s1+$0xC0C0] =	vst.add.f32.msk $0xffff, v10;
	(pc) =	sbr.rel @p1 .LBB2_15-.Ltmp8, $4  }
0x247: {  	[tilespmem:s1+$0xC050] =	vst.add.f32.msk $0xffff, v11  }
0x248: {  	[tilespmem:s1+$0xC0D0] =	vst.add.f32.msk $0xffff, v12  }
0x249: {  	[tilespmem:s1+$0xC060] =	vst.add.f32.msk $0xffff, v13  }
0x24a: {  	s14 =	sadd.s32 $0x400, s14;
	[tilespmem:s1+$0xC0E0] =	vst.add.f32.msk $0xffff, v14  }
0x24b: {  	[tilespmem:s1+$0xC070] =	vst.add.f32.msk $0xffff, v0;
	s0 =	sadd.s32 s4, s16  }
0x24c: {  	[hbm4b:s0+s21] =	stream.strided.scatter [tilespmem:s30], [sflag:$0xF], $0x2000, s22, s21, $0x38;
	[tilespmem:$0x14000] =	vst v63  }
0x24d: {  	_ =	swait.ge [sflag:s25], $0x2000  }
0x24e: {  	s0 =	rddreg [dreg:$0xd]  }
0x24f: {  	s1 =	simm.s32 @!p0 $0x100;
	s0 =	sadd.s32 @!p0 s0, s31  }
0x250: {  	s9 =	simm.s32 @!p0 $0x400;
	[sflag:s25] =	ssyncset.done $0x0;
	s0 =	sand.u32 @!p0 $0xFFFF000, s0  }
0x251: {  	[sflag:s25] =	ssyncadd.s32 $0xFFFFE000;
	s0 =	sadd.s32 @!p0 s0, s13;
	s13 =	simm.s32 @!p0 $0x4000  }
0x252: {  	[tilespmem:s13], [sflag:$0x3] =	stream.strided.gather @!p0 [hbm4b:s0+s1], $0x2000, s9, s1, $0x38;
	[tilespmem:$0x14000] =	vst v63  }
0x253: {  	_ =	swait.ge [sflag:s26], $0x2000  }
0x254: {  	[sflag:s26] =	ssyncset.done $0x0  }
0x255: {  	s1 =	simm.s32 $0x0;
	[sflag:s26] =	ssyncadd.s32 $0xFFFFE000  }
0x256: {  	v0 =	vld [tilespmem:s1+$0x120F0]  }
0x257: {  	v1 =	vld [tilespmem:s1+$0x12000]  }
0x258: {  	v2 =	vld [tilespmem:s1+$0x12080]  }
0x259: {  	v3 =	vld [tilespmem:s1+$0x12010]  }
0x25a: {  	v4 =	vld [tilespmem:s1+$0x12090]  }
0x25b: {  	v5 =	vld [tilespmem:s1+$0x12020]  }
0x25c: {  	v6 =	vld [tilespmem:s1+$0x120A0]  }
0x25d: {  	v7 =	vld [tilespmem:s1+$0x12030]  }
0x25e: {  	v8 =	vld [tilespmem:s1+$0x120B0]  }
0x25f: {  	v9 =	vld [tilespmem:s1+$0x12040]  }
0x260: {  	v10 =	vld [tilespmem:s1+$0x120C0]  }
0x261: {  	v11 =	vld [tilespmem:s1+$0x12050]  }
0x262: {  	v12 =	vld [tilespmem:s1+$0x120D0]  }
0x263: {  	v13 =	vld [tilespmem:s1+$0x12060]  }
0x264: {  	v14 =	vld [tilespmem:s1+$0x120E0]  }
0x265: {  	[tilespmem:s1+$0xE0F0] =	vst.add.f32.msk $0xffff, v0  }
0x266: {  	v0 =	vld [tilespmem:s1+$0x12070]  }
0x267: {  	[tilespmem:s1+$0xE000] =	vst.add.f32.msk $0xffff, v1  }
0x268: {  	[tilespmem:s1+$0xE080] =	vst.add.f32.msk $0xffff, v2  }
0x269: {  	[tilespmem:s1+$0xE010] =	vst.add.f32.msk $0xffff, v3  }
0x26a: {  	[tilespmem:s1+$0xE090] =	vst.add.f32.msk $0xffff, v4  }
0x26b: {  	[tilespmem:s1+$0xE020] =	vst.add.f32.msk $0xffff, v5  }
0x26c: {  	[tilespmem:s1+$0xE0A0] =	vst.add.f32.msk $0xffff, v6  }
0x26d: {  	[tilespmem:s1+$0xE030] =	vst.add.f32.msk $0xffff, v7  }
0x26e: {  	[tilespmem:s1+$0xE0B0] =	vst.add.f32.msk $0xffff, v8  }
0x26f: {  	[tilespmem:s1+$0xE040] =	vst.add.f32.msk $0xffff, v9  }
0x270: {  	[tilespmem:s1+$0xE0C0] =	vst.add.f32.msk $0xffff, v10  }
0x271: {  	[tilespmem:s1+$0xE050] =	vst.add.f32.msk $0xffff, v11  }
0x272: {  	[tilespmem:s1+$0xE0D0] =	vst.add.f32.msk $0xffff, v12  }
0x273: {  	[tilespmem:s1+$0xE060] =	vst.add.f32.msk $0xffff, v13  }
0x274: {  	s9 =	simm.s32 $0x0;
	s13 =	simm.s32 $0x400;
	[tilespmem:s1+$0xE0E0] =	vst.add.f32.msk $0xffff, v14  }
.LBB2_17:
0x275: {  	s9 =	sadd.s32 $0x8, s9;
	[tilespmem:s1+$0xE070] =	vst.add.f32.msk $0xffff, v0;
	s1 =	sshra.s32 s13, $0x2  }
0x276: {  	v0 =	vld [tilespmem:s1+$0x120F0];
	p1 =	slt.u32 s9, $0xF8  }
0x277: {  	v1 =	vld [tilespmem:s1+$0x12000]  }
0x278: {  	v2 =	vld [tilespmem:s1+$0x12080]  }
0x279: {  	v3 =	vld [tilespmem:s1+$0x12010]  }
0x27a: {  	v4 =	vld [tilespmem:s1+$0x12090]  }
0x27b: {  	[tilespmem:s1+$0xE0F0] =	vst.add.f32.msk $0xffff, v0  }
0x27c: {  	v5 =	vld [tilespmem:s1+$0x12020]  }
0x27d: {  	v6 =	vld [tilespmem:s1+$0x120A0]  }
0x27e: {  	v7 =	vld [tilespmem:s1+$0x12030]  }
0x27f: {  	v8 =	vld [tilespmem:s1+$0x120B0]  }
0x280: {  	v9 =	vld [tilespmem:s1+$0x12040]  }
0x281: {  	v10 =	vld [tilespmem:s1+$0x120C0]  }
0x282: {  	v11 =	vld [tilespmem:s1+$0x12050]  }
0x283: {  	v12 =	vld [tilespmem:s1+$0x120D0]  }
0x284: {  	v13 =	vld [tilespmem:s1+$0x12060]  }
0x285: {  	v14 =	vld [tilespmem:s1+$0x120E0]  }
0x286: {  	v0 =	vld [tilespmem:s1+$0x12070]  }
0x287: {  	[tilespmem:s1+$0xE000] =	vst.add.f32.msk $0xffff, v1  }
0x288: {  	[tilespmem:s1+$0xE080] =	vst.add.f32.msk $0xffff, v2  }
0x289: {  	[tilespmem:s1+$0xE010] =	vst.add.f32.msk $0xffff, v3  }
0x28a: {  	[tilespmem:s1+$0xE090] =	vst.add.f32.msk $0xffff, v4  }
0x28b: {  	[tilespmem:s1+$0xE020] =	vst.add.f32.msk $0xffff, v5  }
0x28c: {  	[tilespmem:s1+$0xE0A0] =	vst.add.f32.msk $0xffff, v6  }
0x28d: {  	[tilespmem:s1+$0xE030] =	vst.add.f32.msk $0xffff, v7  }
0x28e: {  	[tilespmem:s1+$0xE0B0] =	vst.add.f32.msk $0xffff, v8  }
0x28f: {  	[tilespmem:s1+$0xE040] =	vst.add.f32.msk $0xffff, v9  }
.Ltmp9:
0x290: {  	[tilespmem:s1+$0xE0C0] =	vst.add.f32.msk $0xffff, v10;
	(pc) =	sbr.rel @p1 .LBB2_17-.Ltmp9, $4  }
0x291: {  	[tilespmem:s1+$0xE050] =	vst.add.f32.msk $0xffff, v11  }
0x292: {  	[tilespmem:s1+$0xE0D0] =	vst.add.f32.msk $0xffff, v12  }
0x293: {  	[tilespmem:s1+$0xE060] =	vst.add.f32.msk $0xffff, v13  }
0x294: {  	s13 =	sadd.s32 $0x400, s13;
	[tilespmem:s1+$0xE0E0] =	vst.add.f32.msk $0xffff, v14  }
.Ltmp10:
0x295: {  	(pc) =	sbr.rel @p0 .LBB2_20-.Ltmp10, $3  }
0x296: {  	_ =	sdelay $0x1  }
0x297: {  	[tilespmem:s1+$0xE070] =	vst.add.f32.msk $0xffff, v0;
	s0 =	sadd.s32 s4, s28;
	s31 =	simm.s32 $0xE000  }
0x298: {  	[hbm4b:s0+s21] =	stream.strided.scatter [tilespmem:s31], [sflag:$0x10], $0x2000, s22, s21, $0x38;
	[tilespmem:$0x14000] =	vst v63  }
0x299: {  	s0 =	sadd.s32 $0x3, s11  }
0x29a: {  	s1 =	sshll.u32 s0, $0xA;
	s0 =	sshll.u32 s0, $0x5  }
0x29b: {  	s9 =	rddreg [dreg:$0x1];
	s1 =	sadd.s32 s7, s1;
	s0 =	sand.u32 $0x60, s0  }
0x29c: {  	s1 =	sand.u32 $0x3FF000, s1;
	s0 =	sadd.s32 s9, s0  }
0x29d: {  	s14 =	simm.s32 $0x12000;
	s0 =	sadd.s32 s1, s0  }
0x29e: {  	[tilespmem:s14], [sflag:$0x12] =	stream.strided.gather [hbm4b:s0+s21], $0x2000, s22, s21, $0x38;
	[tilespmem:$0x14000] =	vst v63  }
0x29f: {  	s16 =	sshll.u32 s12, $0xA;
	_ =	swait.ge [sflag:s3], $0x2000  }
.Ltmp11:
0x2a0: {  	s28 =	sshll.u32 s12, $0x5;
	s31 =	rddreg [dreg:$0xe];
	(pc) =	sbr.rel .LBB2_2-.Ltmp11, $4  }
0x2a1: {  	s1 =	sand.u32 $0x40, s28;
	s0 =	sadd.s32 s31, s16  }
0x2a2: {  	s1 =	sadd.s32 s2, s1;
	[sflag:s3] =	ssyncset.done $0x0;
	s0 =	sand.u32 $0xFFFF000, s0  }
0x2a3: {  	s6 =	sadd.s32 $0x1, s6;
	[sflag:s3] =	ssyncadd.s32 $0xFFFFE000;
	s0 =	sadd.s32 s0, s1  }
0x2a4: {  	[tilespmem:s17], [sflag:$0x4] =	stream.strided.gather [hbm4b:s0+s21], $0x2000, s22, s21, $0x38;
	[tilespmem:$0x14000] =	vst v63  }
.LBB2_21:
0x2a5: {  	_ =	sfence.sel $0x180000  }
0x2a6: {  	[bflag:$0x0] =	sbarrier.arrive $0xFFFF  }
0x2a7: {  	_ =	strace $0x90000047  }
0x2a8: {  	s0 =	stileid.u32;
	[bflag:$0x2] =	sbarrier.arrive $0xFFFF  }
0x2a9: {  	p0 =	sne.s32 s0, $0x0;
	s0 =	rddreg [dreg:$0x3]  }
0x2aa: {  	s0 =	sadd.s32 @!p0 $0x100000, s0  }
0x2ab: {  	[sflag:s0] =	ssyncadd.tile.s32 @!p0 $0x1;
	_ =	shalt  }
.Lfunc_end2:
_tile_overlayer_lowered:
.L_overlay_start_2:
0x2ac: {  	(tag) =	ssettag $0x2  }
0x2ad: {  	s0 =	rddreg [dreg:$0x0];
	s2 =	stileid.u32  }
0x2ae: {  	s1 =	rddreg [dreg:$0x1];
	p0 =	sne.s32 s2, $0x0  }
0x2af: {  	s3 =	rddreg [dreg:$0x2];
	[bflag:$0x3] =	sbarrier.arrive $0xFFFF;
	s2 =	simm.s32 @!p0 $0x1C13  }
0x2b0: {  	[timem:s3], [sflag:s2] =	dma.local @!p0 [hbm:s0], s1  }
0x2b1: {  	s0 =	simm.s32 @!p0 $0x13  }
0x2b2: {  	_ =	swait.ge @!p0 [sflag:s0], s1  }
0x2b3: {  	s1 =	ssub.s32 @!p0 $0x0, s1;
	[sflag:s0] =	ssyncset.done @!p0 $0x0  }
0x2b4: {  	[sflag:s0] =	ssyncadd.s32 @!p0 s1  }
0x2b5: {  	[bflag:$0x3] =	sbarrier.arrive $0xFFFF  }
0x2b6: {  	_ =	shalt  }

</sc_bundles>
